<compile_context>
chip_gen: v7x
topology: tpu7x:2x2x1
jax: 0.10.2.dev20260603
libtpu: 0.0.44.dev20260713+nightly
codegen_flags: <defaults>
</compile_context>

<pallas_src>
import functools

import jax
import jax.numpy as jnp
from jax import lax
from jax.experimental import pallas as pl
from jax.experimental.pallas import tpu as pltpu
from jax.experimental.pallas import tpu_sc as plsc

_N_CORES = 2
_N_SUBCORES = 16
_N_WORKERS = _N_CORES * _N_SUBCORES


@functools.lru_cache(maxsize=None)
def _build_gather(rows, cols, V, D, b_per_w, C, NBUF):
    B = rows * cols
    nchunk = b_per_w // C
    nbuf = min(NBUF, nchunk)
    w_per_row = cols // b_per_w
    mesh = plsc.VectorSubcoreMesh(core_axis_name="c", subcore_axis_name="s")

    @functools.partial(
        pl.kernel,
        mesh=mesh,
        out_type=(
            jax.ShapeDtypeStruct((B, D), jnp.float32),
            jax.ShapeDtypeStruct((B, D), jnp.float32),
        ),
        scratch_types=(
            [pltpu.VMEM((b_per_w,), jnp.int32)]
            + [pltpu.VMEM((C, D), jnp.float32) for _ in range(nbuf)]
            + [pltpu.SemaphoreType.DMA for _ in range(2 * nbuf)]
        ),
    )
    def body(idx_hbm, w_hbm, out0_hbm, out1_hbm, idx_v, *rest):
        bufs = rest[:nbuf]
        gsems = rest[nbuf : 2 * nbuf]
        osems = rest[2 * nbuf : 3 * nbuf]
        wid = lax.axis_index("s") * _N_CORES + lax.axis_index("c")
        base = wid * b_per_w
        pltpu.sync_copy(
            idx_hbm.at[wid // w_per_row, pl.ds((wid % w_per_row) * b_per_w, b_per_w)],
            idx_v,
        )
        gcp = [None] * nbuf
        ocp = [None] * nbuf
        ocp2 = [None] * nbuf
        for j in range(nbuf):
            gcp[j] = pltpu.async_copy(
                w_hbm.at[idx_v.at[pl.ds(j * C, C)]], bufs[j], gsems[j]
            )
        for j in range(nchunk):
            b = j % nbuf
            gcp[b].wait()
            ocp[b] = pltpu.async_copy(
                bufs[b], out0_hbm.at[pl.ds(base + j * C, C)], osems[b]
            )
            ocp2[b] = pltpu.async_copy(
                bufs[b], out1_hbm.at[pl.ds(base + j * C, C)], osems[b]
            )
            nj = j + nbuf
            if nj < nchunk:
                ocp[b].wait()
                ocp2[b].wait()
                gcp[b] = pltpu.async_copy(
                    w_hbm.at[idx_v.at[pl.ds(nj * C, C)]], bufs[b], gsems[b]
                )
        for j in range(max(0, nchunk - nbuf), nchunk):
            ocp[j % nbuf].wait()
            ocp2[j % nbuf].wait()

    return body


def kernel(x, W):
    batch_shape = x.shape
    B = x.size
    V, D = W.shape
    rows = batch_shape[0]
    cols = B // rows
    idx = x.reshape(rows, cols).astype(jnp.int32)
    b_per_w = B // _N_WORKERS
    C = 32
    NBUF = 7
    y0, y1 = _build_gather(rows, cols, V, D, b_per_w, C, NBUF)(idx, W)
    return (y0.reshape(*batch_shape, D), y1.reshape(*batch_shape, D))

# --- scband reference (transcript-rebuilt; emitter-appended) ---
"""Pipeline reference for scband-word-embedding-60181081752312 (READ-ONLY COPY).

The authoritative reference and input builder live on the scoring server;
editing this copy changes nothing except your own understanding.
"""

import jax, jax.numpy as jnp
import numpy as np

N_VOCAB = 100000
N_EMBED = 512
PAD = 0

def setup_inputs(seed: int = 0) -> dict:
    key = jax.random.key(seed)
    k_idx, k_w = jax.random.split(key)
    x = jax.random.randint(k_idx, (4, 2048), 0, N_VOCAB, dtype=jnp.int64 if jax.config.jax_enable_x64 else jnp.int32)
    # embedding table: normal(0, n_embed**-0.5), pad row zeroed
    W = jax.random.normal(k_w, (N_VOCAB, N_EMBED), dtype=jnp.float32) * (N_EMBED ** -0.5)
    W = W.at[PAD].set(0.0)
    return {"x": x, "W": W}

def reference(x, W):
    # WordEmbedding.forward with position_encoding=False:
    #   x_w_emb = Embedding(x); returns (x_w_emb, x_w_emb)
    x_w_emb = jnp.take(W, x, axis=0)
    x_wp_emb = x_w_emb
    return (x_w_emb, x_wp_emb)

if __name__ == "__main__":
    import jax
    _d = setup_inputs()
    print(jax.jit(kernel)(*tuple(_d.values())))

</pallas_src>

<mosaic_0001>
#map = affine_map<(d0, d1) -> (0, 0)>
module attributes {stable_mosaic.version = 14 : i64} {
  func.func @body(%arg0: i32, %arg1: i32, %arg2: memref<4x2048xi32, #tpu.memory_space<hbm>>, %arg3: memref<100000x512xf32, #tpu.memory_space<hbm>>, %arg4: memref<8192x512xf32, #tpu.memory_space<hbm>>, %arg5: memref<8192x512xf32, #tpu.memory_space<hbm>>, %arg6: memref<256xi32, #tpu.memory_space<vmem>>, %arg7: memref<32x512xf32, #tpu.memory_space<vmem>>, %arg8: memref<32x512xf32, #tpu.memory_space<vmem>>, %arg9: memref<32x512xf32, #tpu.memory_space<vmem>>, %arg10: memref<32x512xf32, #tpu.memory_space<vmem>>, %arg11: memref<32x512xf32, #tpu.memory_space<vmem>>, %arg12: memref<32x512xf32, #tpu.memory_space<vmem>>, %arg13: memref<32x512xf32, #tpu.memory_space<vmem>>, %arg14: memref<!tpu.dma_semaphore, #tpu.memory_space<semaphore_mem>>, %arg15: memref<!tpu.dma_semaphore, #tpu.memory_space<semaphore_mem>>, %arg16: memref<!tpu.dma_semaphore, #tpu.memory_space<semaphore_mem>>, %arg17: memref<!tpu.dma_semaphore, #tpu.memory_space<semaphore_mem>>, %arg18: memref<!tpu.dma_semaphore, #tpu.memory_space<semaphore_mem>>, %arg19: memref<!tpu.dma_semaphore, #tpu.memory_space<semaphore_mem>>, %arg20: memref<!tpu.dma_semaphore, #tpu.memory_space<semaphore_mem>>, %arg21: memref<!tpu.dma_semaphore, #tpu.memory_space<semaphore_mem>>, %arg22: memref<!tpu.dma_semaphore, #tpu.memory_space<semaphore_mem>>, %arg23: memref<!tpu.dma_semaphore, #tpu.memory_space<semaphore_mem>>, %arg24: memref<!tpu.dma_semaphore, #tpu.memory_space<semaphore_mem>>, %arg25: memref<!tpu.dma_semaphore, #tpu.memory_space<semaphore_mem>>, %arg26: memref<!tpu.dma_semaphore, #tpu.memory_space<semaphore_mem>>, %arg27: memref<!tpu.dma_semaphore, #tpu.memory_space<semaphore_mem>>) attributes {dimension_semantics = [#tpu.dimension_semantics<core_parallel>, #tpu.dimension_semantics<subcore_parallel>], iteration_bounds = array<i64: 2, 16>, scalar_prefetch = 0 : i64, scratch_operands = 22 : i64, tpu.core_type = #tpu.core_type<sc_vector_subcore>, window_params = [{transform_indices = #map}, {transform_indices = #map}, {transform_indices = #map}, {transform_indices = #map}]} {
    %mul3A = arith.constant 2 : i32
    %mul3A_0 = arith.muli %arg1, %mul3A : i32
    %add3A = arith.addi %mul3A_0, %arg0 : i32
    %mul3A_1 = arith.constant 256 : i32
    %mul3A_2 = arith.muli %add3A, %mul3A_1 : i32
    %jit3A = arith.constant 8 : i32
    %div3A = arith.divsi %add3A, %jit3A : i32
    %sign3A = arith.constant 0 : i32
    %sign3A_3 = arith.cmpi sgt, %add3A, %sign3A : i32
    %sign3A_4 = arith.extui %sign3A_3 : i1 to i32
    %sign3A_5 = arith.constant 0 : i32
    %sign3A_6 = arith.cmpi slt, %add3A, %sign3A_5 : i32
    %sign3A_7 = arith.extui %sign3A_6 : i1 to i32
    %sign3A_8 = arith.subi %sign3A_4, %sign3A_7 : i32
    %sign3A_9 = arith.constant 0 : i32
    %sign3A_10 = arith.cmpi sgt, %jit3A, %sign3A_9 : i32
    %sign3A_11 = arith.extui %sign3A_10 : i1 to i32
    %sign3A_12 = arith.constant 0 : i32
    %sign3A_13 = arith.cmpi slt, %jit3A, %sign3A_12 : i32
    %sign3A_14 = arith.extui %sign3A_13 : i1 to i32
    %sign3A_15 = arith.subi %sign3A_11, %sign3A_14 : i32
    %ne3A = arith.cmpi ne, %sign3A_8, %sign3A_15 : i32
    %rem3A = arith.remsi %add3A, %jit3A : i32
    %ne3A_16 = arith.constant 0 : i32
    %ne3A_17 = arith.cmpi ne, %rem3A, %ne3A_16 : i32
    %and3A = arith.andi %ne3A, %ne3A_17 : i1
    %sub3A = arith.constant 1 : i32
    %sub3A_18 = arith.subi %div3A, %sub3A : i32
    %select_n3A = arith.select %and3A, %sub3A_18, %div3A : i32
    %jit3A_19 = arith.constant 8 : i32
    %eq3A = arith.constant 0 : i32
    %eq3A_20 = arith.cmpi eq, %jit3A_19, %eq3A : i32
    %jit3A_21 = arith.constant 1 : i32
    %select_n3A_22 = arith.select %eq3A_20, %jit3A_21, %jit3A_19 : i32
    %rem3A_23 = arith.remsi %add3A, %select_n3A_22 : i32
    %ne3A_24 = arith.constant 0 : i32
    %ne3A_25 = arith.cmpi ne, %rem3A_23, %ne3A_24 : i32
    %lt3A = arith.constant 0 : i32
    %lt3A_26 = arith.cmpi slt, %rem3A_23, %lt3A : i32
    %lt3A_27 = arith.constant 0 : i32
    %lt3A_28 = arith.cmpi slt, %select_n3A_22, %lt3A_27 : i32
    %ne3A_29 = arith.xori %lt3A_26, %lt3A_28 : i1
    %and3A_30 = arith.andi %ne3A_29, %ne3A_25 : i1
    %add3A_31 = arith.addi %rem3A_23, %select_n3A_22 : i32
    %select_n3A_32 = arith.select %and3A_30, %add3A_31, %rem3A_23 : i32
    %mul3A_33 = arith.constant 256 : i32
    %mul3A_34 = arith.muli %select_n3A_32, %mul3A_33 : i32
    "tpu.region"() ({
      %run_scoped3A = tpu.sem_alloc : memref<!tpu.dma_semaphore, #tpu.memory_space<semaphore_mem>>
      %dma_start3A_273 = tpu.memref_slice %arg2[%select_n3A, %mul3A_34] : memref<4x2048xi32, #tpu.memory_space<hbm>> -> memref<1x256xi32, #tpu.memory_space<hbm>>
      %dma_start3A_274 = tpu.memref_squeeze %dma_start3A_273 : memref<1x256xi32, #tpu.memory_space<hbm>> -> memref<256xi32, #tpu.memory_space<hbm>>
      %dma_start3A_275 = tpu.memref_slice %arg2[%select_n3A, %mul3A_34] : memref<4x2048xi32, #tpu.memory_space<hbm>> -> memref<1x256xi32, #tpu.memory_space<hbm>>
      %dma_start3A_276 = tpu.memref_squeeze %dma_start3A_275 : memref<1x256xi32, #tpu.memory_space<hbm>> -> memref<256xi32, #tpu.memory_space<hbm>>
      tpu.enqueue_dma source(%dma_start3A_276 : memref<256xi32, #tpu.memory_space<hbm>>) target(%arg6 : memref<256xi32, #tpu.memory_space<vmem>>) target_semaphore(%run_scoped3A : memref<!tpu.dma_semaphore, #tpu.memory_space<semaphore_mem>>)
      %dma_wait3A_277 = tpu.memref_slice %arg2[%select_n3A, %mul3A_34] : memref<4x2048xi32, #tpu.memory_space<hbm>> -> memref<1x256xi32, #tpu.memory_space<hbm>>
      %dma_wait3A_278 = tpu.memref_squeeze %dma_wait3A_277 : memref<1x256xi32, #tpu.memory_space<hbm>> -> memref<256xi32, #tpu.memory_space<hbm>>
      %dma_wait3A_279 = tpu.memref_slice %arg2[%select_n3A, %mul3A_34] : memref<4x2048xi32, #tpu.memory_space<hbm>> -> memref<1x256xi32, #tpu.memory_space<hbm>>
      %dma_wait3A_280 = tpu.memref_squeeze %dma_wait3A_279 : memref<1x256xi32, #tpu.memory_space<hbm>> -> memref<256xi32, #tpu.memory_space<hbm>>
      tpu.wait_dma2 semaphore(%run_scoped3A : memref<!tpu.dma_semaphore, #tpu.memory_space<semaphore_mem>>) src(%dma_wait3A_280 : memref<256xi32, #tpu.memory_space<hbm>>) dst(%arg6 : memref<256xi32, #tpu.memory_space<vmem>>)
      tpu.yield
    }) : () -> ()
    %dma_start3A = arith.constant 0 : i32
    %dma_start3A_35 = tpu.memref_slice %arg6[%dma_start3A] : memref<256xi32, #tpu.memory_space<vmem>> -> memref<32xi32, #tpu.memory_space<vmem>>
    %dma_start3A_36 = arith.constant 0 : i32
    %dma_start3A_37 = arith.constant 0 : i32
    %dma_start3A_38 = tpu.memref_slice %arg3[%dma_start3A_36, %dma_start3A_37] : memref<100000x512xf32, #tpu.memory_space<hbm>> -> memref<100000x512xf32, #tpu.memory_space<hbm>>
    tpu.enqueue_indirect_dma source(%dma_start3A_38 : memref<100000x512xf32, #tpu.memory_space<hbm>>) target(%arg7 : memref<32x512xf32, #tpu.memory_space<vmem>>) offsets(%dma_start3A_35 : memref<32xi32, #tpu.memory_space<vmem>>) semaphore(%arg14 : memref<!tpu.dma_semaphore, #tpu.memory_space<semaphore_mem>>)
    %dma_start3A_39 = arith.constant 32 : i32
    %dma_start3A_40 = tpu.memref_slice %arg6[%dma_start3A_39] : memref<256xi32, #tpu.memory_space<vmem>> -> memref<32xi32, #tpu.memory_space<vmem>>
    %dma_start3A_41 = arith.constant 0 : i32
    %dma_start3A_42 = arith.constant 0 : i32
    %dma_start3A_43 = tpu.memref_slice %arg3[%dma_start3A_41, %dma_start3A_42] : memref<100000x512xf32, #tpu.memory_space<hbm>> -> memref<100000x512xf32, #tpu.memory_space<hbm>>
    tpu.enqueue_indirect_dma source(%dma_start3A_43 : memref<100000x512xf32, #tpu.memory_space<hbm>>) target(%arg8 : memref<32x512xf32, #tpu.memory_space<vmem>>) offsets(%dma_start3A_40 : memref<32xi32, #tpu.memory_space<vmem>>) semaphore(%arg15 : memref<!tpu.dma_semaphore, #tpu.memory_space<semaphore_mem>>)
    %dma_start3A_44 = arith.constant 64 : i32
    %dma_start3A_45 = tpu.memref_slice %arg6[%dma_start3A_44] : memref<256xi32, #tpu.memory_space<vmem>> -> memref<32xi32, #tpu.memory_space<vmem>>
    %dma_start3A_46 = arith.constant 0 : i32
    %dma_start3A_47 = arith.constant 0 : i32
    %dma_start3A_48 = tpu.memref_slice %arg3[%dma_start3A_46, %dma_start3A_47] : memref<100000x512xf32, #tpu.memory_space<hbm>> -> memref<100000x512xf32, #tpu.memory_space<hbm>>
    tpu.enqueue_indirect_dma source(%dma_start3A_48 : memref<100000x512xf32, #tpu.memory_space<hbm>>) target(%arg9 : memref<32x512xf32, #tpu.memory_space<vmem>>) offsets(%dma_start3A_45 : memref<32xi32, #tpu.memory_space<vmem>>) semaphore(%arg16 : memref<!tpu.dma_semaphore, #tpu.memory_space<semaphore_mem>>)
    %dma_start3A_49 = arith.constant 96 : i32
    %dma_start3A_50 = tpu.memref_slice %arg6[%dma_start3A_49] : memref<256xi32, #tpu.memory_space<vmem>> -> memref<32xi32, #tpu.memory_space<vmem>>
    %dma_start3A_51 = arith.constant 0 : i32
    %dma_start3A_52 = arith.constant 0 : i32
    %dma_start3A_53 = tpu.memref_slice %arg3[%dma_start3A_51, %dma_start3A_52] : memref<100000x512xf32, #tpu.memory_space<hbm>> -> memref<100000x512xf32, #tpu.memory_space<hbm>>
    tpu.enqueue_indirect_dma source(%dma_start3A_53 : memref<100000x512xf32, #tpu.memory_space<hbm>>) target(%arg10 : memref<32x512xf32, #tpu.memory_space<vmem>>) offsets(%dma_start3A_50 : memref<32xi32, #tpu.memory_space<vmem>>) semaphore(%arg17 : memref<!tpu.dma_semaphore, #tpu.memory_space<semaphore_mem>>)
    %dma_start3A_54 = arith.constant 128 : i32
    %dma_start3A_55 = tpu.memref_slice %arg6[%dma_start3A_54] : memref<256xi32, #tpu.memory_space<vmem>> -> memref<32xi32, #tpu.memory_space<vmem>>
    %dma_start3A_56 = arith.constant 0 : i32
    %dma_start3A_57 = arith.constant 0 : i32
    %dma_start3A_58 = tpu.memref_slice %arg3[%dma_start3A_56, %dma_start3A_57] : memref<100000x512xf32, #tpu.memory_space<hbm>> -> memref<100000x512xf32, #tpu.memory_space<hbm>>
    tpu.enqueue_indirect_dma source(%dma_start3A_58 : memref<100000x512xf32, #tpu.memory_space<hbm>>) target(%arg11 : memref<32x512xf32, #tpu.memory_space<vmem>>) offsets(%dma_start3A_55 : memref<32xi32, #tpu.memory_space<vmem>>) semaphore(%arg18 : memref<!tpu.dma_semaphore, #tpu.memory_space<semaphore_mem>>)
    %dma_start3A_59 = arith.constant 160 : i32
    %dma_start3A_60 = tpu.memref_slice %arg6[%dma_start3A_59] : memref<256xi32, #tpu.memory_space<vmem>> -> memref<32xi32, #tpu.memory_space<vmem>>
    %dma_start3A_61 = arith.constant 0 : i32
    %dma_start3A_62 = arith.constant 0 : i32
    %dma_start3A_63 = tpu.memref_slice %arg3[%dma_start3A_61, %dma_start3A_62] : memref<100000x512xf32, #tpu.memory_space<hbm>> -> memref<100000x512xf32, #tpu.memory_space<hbm>>
    tpu.enqueue_indirect_dma source(%dma_start3A_63 : memref<100000x512xf32, #tpu.memory_space<hbm>>) target(%arg12 : memref<32x512xf32, #tpu.memory_space<vmem>>) offsets(%dma_start3A_60 : memref<32xi32, #tpu.memory_space<vmem>>) semaphore(%arg19 : memref<!tpu.dma_semaphore, #tpu.memory_space<semaphore_mem>>)
    %dma_start3A_64 = arith.constant 192 : i32
    %dma_start3A_65 = tpu.memref_slice %arg6[%dma_start3A_64] : memref<256xi32, #tpu.memory_space<vmem>> -> memref<32xi32, #tpu.memory_space<vmem>>
    %dma_start3A_66 = arith.constant 0 : i32
    %dma_start3A_67 = arith.constant 0 : i32
    %dma_start3A_68 = tpu.memref_slice %arg3[%dma_start3A_66, %dma_start3A_67] : memref<100000x512xf32, #tpu.memory_space<hbm>> -> memref<100000x512xf32, #tpu.memory_space<hbm>>
    tpu.enqueue_indirect_dma source(%dma_start3A_68 : memref<100000x512xf32, #tpu.memory_space<hbm>>) target(%arg13 : memref<32x512xf32, #tpu.memory_space<vmem>>) offsets(%dma_start3A_65 : memref<32xi32, #tpu.memory_space<vmem>>) semaphore(%arg20 : memref<!tpu.dma_semaphore, #tpu.memory_space<semaphore_mem>>)
    %dma_wait3A = arith.constant 0 : i32
    %dma_wait3A_69 = tpu.memref_slice %arg6[%dma_wait3A] : memref<256xi32, #tpu.memory_space<vmem>> -> memref<32xi32, #tpu.memory_space<vmem>>
    %dma_wait3A_70 = arith.constant 0 : i32
    %dma_wait3A_71 = arith.constant 0 : i32
    %dma_wait3A_72 = tpu.memref_slice %arg3[%dma_wait3A_70, %dma_wait3A_71] : memref<100000x512xf32, #tpu.memory_space<hbm>> -> memref<100000x512xf32, #tpu.memory_space<hbm>>
    tpu.wait_indirect_dma semaphore(%arg14 : memref<!tpu.dma_semaphore, #tpu.memory_space<semaphore_mem>>) src(%dma_wait3A_72 : memref<100000x512xf32, #tpu.memory_space<hbm>>) dst(%arg7 : memref<32x512xf32, #tpu.memory_space<vmem>>)
    %add3A_73 = arith.constant 0 : i32
    %add3A_74 = arith.addi %mul3A_2, %add3A_73 : i32
    %dma_start3A_75 = arith.constant 0 : i32
    %dma_start3A_76 = tpu.memref_slice %arg4[%add3A_74, %dma_start3A_75] : memref<8192x512xf32, #tpu.memory_space<hbm>> -> memref<32x512xf32, #tpu.memory_space<hbm>>
    %dma_start3A_77 = arith.constant 0 : i32
    %dma_start3A_78 = tpu.memref_slice %arg4[%add3A_74, %dma_start3A_77] : memref<8192x512xf32, #tpu.memory_space<hbm>> -> memref<32x512xf32, #tpu.memory_space<hbm>>
    tpu.enqueue_dma source(%arg7 : memref<32x512xf32, #tpu.memory_space<vmem>>) target(%dma_start3A_78 : memref<32x512xf32, #tpu.memory_space<hbm>>) target_semaphore(%arg21 : memref<!tpu.dma_semaphore, #tpu.memory_space<semaphore_mem>>)
    %add3A_79 = arith.constant 0 : i32
    %add3A_80 = arith.addi %mul3A_2, %add3A_79 : i32
    %dma_start3A_81 = arith.constant 0 : i32
    %dma_start3A_82 = tpu.memref_slice %arg5[%add3A_80, %dma_start3A_81] : memref<8192x512xf32, #tpu.memory_space<hbm>> -> memref<32x512xf32, #tpu.memory_space<hbm>>
    %dma_start3A_83 = arith.constant 0 : i32
    %dma_start3A_84 = tpu.memref_slice %arg5[%add3A_80, %dma_start3A_83] : memref<8192x512xf32, #tpu.memory_space<hbm>> -> memref<32x512xf32, #tpu.memory_space<hbm>>
    tpu.enqueue_dma source(%arg7 : memref<32x512xf32, #tpu.memory_space<vmem>>) target(%dma_start3A_84 : memref<32x512xf32, #tpu.memory_space<hbm>>) target_semaphore(%arg21 : memref<!tpu.dma_semaphore, #tpu.memory_space<semaphore_mem>>)
    %dma_wait3A_85 = arith.constant 0 : i32
    %dma_wait3A_86 = tpu.memref_slice %arg4[%add3A_74, %dma_wait3A_85] : memref<8192x512xf32, #tpu.memory_space<hbm>> -> memref<32x512xf32, #tpu.memory_space<hbm>>
    %dma_wait3A_87 = arith.constant 0 : i32
    %dma_wait3A_88 = tpu.memref_slice %arg4[%add3A_74, %dma_wait3A_87] : memref<8192x512xf32, #tpu.memory_space<hbm>> -> memref<32x512xf32, #tpu.memory_space<hbm>>
    tpu.wait_dma2 semaphore(%arg21 : memref<!tpu.dma_semaphore, #tpu.memory_space<semaphore_mem>>) src(%arg7 : memref<32x512xf32, #tpu.memory_space<vmem>>) dst(%dma_wait3A_88 : memref<32x512xf32, #tpu.memory_space<hbm>>)
    %dma_wait3A_89 = arith.constant 0 : i32
    %dma_wait3A_90 = tpu.memref_slice %arg5[%add3A_80, %dma_wait3A_89] : memref<8192x512xf32, #tpu.memory_space<hbm>> -> memref<32x512xf32, #tpu.memory_space<hbm>>
    %dma_wait3A_91 = arith.constant 0 : i32
    %dma_wait3A_92 = tpu.memref_slice %arg5[%add3A_80, %dma_wait3A_91] : memref<8192x512xf32, #tpu.memory_space<hbm>> -> memref<32x512xf32, #tpu.memory_space<hbm>>
    tpu.wait_dma2 semaphore(%arg21 : memref<!tpu.dma_semaphore, #tpu.memory_space<semaphore_mem>>) src(%arg7 : memref<32x512xf32, #tpu.memory_space<vmem>>) dst(%dma_wait3A_92 : memref<32x512xf32, #tpu.memory_space<hbm>>)
    %dma_start3A_93 = arith.constant 224 : i32
    %dma_start3A_94 = tpu.memref_slice %arg6[%dma_start3A_93] : memref<256xi32, #tpu.memory_space<vmem>> -> memref<32xi32, #tpu.memory_space<vmem>>
    %dma_start3A_95 = arith.constant 0 : i32
    %dma_start3A_96 = arith.constant 0 : i32
    %dma_start3A_97 = tpu.memref_slice %arg3[%dma_start3A_95, %dma_start3A_96] : memref<100000x512xf32, #tpu.memory_space<hbm>> -> memref<100000x512xf32, #tpu.memory_space<hbm>>
    tpu.enqueue_indirect_dma source(%dma_start3A_97 : memref<100000x512xf32, #tpu.memory_space<hbm>>) target(%arg7 : memref<32x512xf32, #tpu.memory_space<vmem>>) offsets(%dma_start3A_94 : memref<32xi32, #tpu.memory_space<vmem>>) semaphore(%arg14 : memref<!tpu.dma_semaphore, #tpu.memory_space<semaphore_mem>>)
    %dma_wait3A_98 = arith.constant 32 : i32
    %dma_wait3A_99 = tpu.memref_slice %arg6[%dma_wait3A_98] : memref<256xi32, #tpu.memory_space<vmem>> -> memref<32xi32, #tpu.memory_space<vmem>>
    %dma_wait3A_100 = arith.constant 0 : i32
    %dma_wait3A_101 = arith.constant 0 : i32
    %dma_wait3A_102 = tpu.memref_slice %arg3[%dma_wait3A_100, %dma_wait3A_101] : memref<100000x512xf32, #tpu.memory_space<hbm>> -> memref<100000x512xf32, #tpu.memory_space<hbm>>
    tpu.wait_indirect_dma semaphore(%arg15 : memref<!tpu.dma_semaphore, #tpu.memory_space<semaphore_mem>>) src(%dma_wait3A_102 : memref<100000x512xf32, #tpu.memory_space<hbm>>) dst(%arg8 : memref<32x512xf32, #tpu.memory_space<vmem>>)
    %add3A_103 = arith.constant 32 : i32
    %add3A_104 = arith.addi %mul3A_2, %add3A_103 : i32
    %dma_start3A_105 = arith.constant 0 : i32
    %dma_start3A_106 = tpu.memref_slice %arg4[%add3A_104, %dma_start3A_105] : memref<8192x512xf32, #tpu.memory_space<hbm>> -> memref<32x512xf32, #tpu.memory_space<hbm>>
    %dma_start3A_107 = arith.constant 0 : i32
    %dma_start3A_108 = tpu.memref_slice %arg4[%add3A_104, %dma_start3A_107] : memref<8192x512xf32, #tpu.memory_space<hbm>> -> memref<32x512xf32, #tpu.memory_space<hbm>>
    tpu.enqueue_dma source(%arg8 : memref<32x512xf32, #tpu.memory_space<vmem>>) target(%dma_start3A_108 : memref<32x512xf32, #tpu.memory_space<hbm>>) target_semaphore(%arg22 : memref<!tpu.dma_semaphore, #tpu.memory_space<semaphore_mem>>)
    %add3A_109 = arith.constant 32 : i32
    %add3A_110 = arith.addi %mul3A_2, %add3A_109 : i32
    %dma_start3A_111 = arith.constant 0 : i32
    %dma_start3A_112 = tpu.memref_slice %arg5[%add3A_110, %dma_start3A_111] : memref<8192x512xf32, #tpu.memory_space<hbm>> -> memref<32x512xf32, #tpu.memory_space<hbm>>
    %dma_start3A_113 = arith.constant 0 : i32
    %dma_start3A_114 = tpu.memref_slice %arg5[%add3A_110, %dma_start3A_113] : memref<8192x512xf32, #tpu.memory_space<hbm>> -> memref<32x512xf32, #tpu.memory_space<hbm>>
    tpu.enqueue_dma source(%arg8 : memref<32x512xf32, #tpu.memory_space<vmem>>) target(%dma_start3A_114 : memref<32x512xf32, #tpu.memory_space<hbm>>) target_semaphore(%arg22 : memref<!tpu.dma_semaphore, #tpu.memory_space<semaphore_mem>>)
    %dma_wait3A_115 = arith.constant 64 : i32
    %dma_wait3A_116 = tpu.memref_slice %arg6[%dma_wait3A_115] : memref<256xi32, #tpu.memory_space<vmem>> -> memref<32xi32, #tpu.memory_space<vmem>>
    %dma_wait3A_117 = arith.constant 0 : i32
    %dma_wait3A_118 = arith.constant 0 : i32
    %dma_wait3A_119 = tpu.memref_slice %arg3[%dma_wait3A_117, %dma_wait3A_118] : memref<100000x512xf32, #tpu.memory_space<hbm>> -> memref<100000x512xf32, #tpu.memory_space<hbm>>
    tpu.wait_indirect_dma semaphore(%arg16 : memref<!tpu.dma_semaphore, #tpu.memory_space<semaphore_mem>>) src(%dma_wait3A_119 : memref<100000x512xf32, #tpu.memory_space<hbm>>) dst(%arg9 : memref<32x512xf32, #tpu.memory_space<vmem>>)
    %add3A_120 = arith.constant 64 : i32
    %add3A_121 = arith.addi %mul3A_2, %add3A_120 : i32
    %dma_start3A_122 = arith.constant 0 : i32
    %dma_start3A_123 = tpu.memref_slice %arg4[%add3A_121, %dma_start3A_122] : memref<8192x512xf32, #tpu.memory_space<hbm>> -> memref<32x512xf32, #tpu.memory_space<hbm>>
    %dma_start3A_124 = arith.constant 0 : i32
    %dma_start3A_125 = tpu.memref_slice %arg4[%add3A_121, %dma_start3A_124] : memref<8192x512xf32, #tpu.memory_space<hbm>> -> memref<32x512xf32, #tpu.memory_space<hbm>>
    tpu.enqueue_dma source(%arg9 : memref<32x512xf32, #tpu.memory_space<vmem>>) target(%dma_start3A_125 : memref<32x512xf32, #tpu.memory_space<hbm>>) target_semaphore(%arg23 : memref<!tpu.dma_semaphore, #tpu.memory_space<semaphore_mem>>)
    %add3A_126 = arith.constant 64 : i32
    %add3A_127 = arith.addi %mul3A_2, %add3A_126 : i32
    %dma_start3A_128 = arith.constant 0 : i32
    %dma_start3A_129 = tpu.memref_slice %arg5[%add3A_127, %dma_start3A_128] : memref<8192x512xf32, #tpu.memory_space<hbm>> -> memref<32x512xf32, #tpu.memory_space<hbm>>
    %dma_start3A_130 = arith.constant 0 : i32
    %dma_start3A_131 = tpu.memref_slice %arg5[%add3A_127, %dma_start3A_130] : memref<8192x512xf32, #tpu.memory_space<hbm>> -> memref<32x512xf32, #tpu.memory_space<hbm>>
    tpu.enqueue_dma source(%arg9 : memref<32x512xf32, #tpu.memory_space<vmem>>) target(%dma_start3A_131 : memref<32x512xf32, #tpu.memory_space<hbm>>) target_semaphore(%arg23 : memref<!tpu.dma_semaphore, #tpu.memory_space<semaphore_mem>>)
    %dma_wait3A_132 = arith.constant 96 : i32
    %dma_wait3A_133 = tpu.memref_slice %arg6[%dma_wait3A_132] : memref<256xi32, #tpu.memory_space<vmem>> -> memref<32xi32, #tpu.memory_space<vmem>>
    %dma_wait3A_134 = arith.constant 0 : i32
    %dma_wait3A_135 = arith.constant 0 : i32
    %dma_wait3A_136 = tpu.memref_slice %arg3[%dma_wait3A_134, %dma_wait3A_135] : memref<100000x512xf32, #tpu.memory_space<hbm>> -> memref<100000x512xf32, #tpu.memory_space<hbm>>
    tpu.wait_indirect_dma semaphore(%arg17 : memref<!tpu.dma_semaphore, #tpu.memory_space<semaphore_mem>>) src(%dma_wait3A_136 : memref<100000x512xf32, #tpu.memory_space<hbm>>) dst(%arg10 : memref<32x512xf32, #tpu.memory_space<vmem>>)
    %add3A_137 = arith.constant 96 : i32
    %add3A_138 = arith.addi %mul3A_2, %add3A_137 : i32
    %dma_start3A_139 = arith.constant 0 : i32
    %dma_start3A_140 = tpu.memref_slice %arg4[%add3A_138, %dma_start3A_139] : memref<8192x512xf32, #tpu.memory_space<hbm>> -> memref<32x512xf32, #tpu.memory_space<hbm>>
    %dma_start3A_141 = arith.constant 0 : i32
    %dma_start3A_142 = tpu.memref_slice %arg4[%add3A_138, %dma_start3A_141] : memref<8192x512xf32, #tpu.memory_space<hbm>> -> memref<32x512xf32, #tpu.memory_space<hbm>>
    tpu.enqueue_dma source(%arg10 : memref<32x512xf32, #tpu.memory_space<vmem>>) target(%dma_start3A_142 : memref<32x512xf32, #tpu.memory_space<hbm>>) target_semaphore(%arg24 : memref<!tpu.dma_semaphore, #tpu.memory_space<semaphore_mem>>)
    %add3A_143 = arith.constant 96 : i32
    %add3A_144 = arith.addi %mul3A_2, %add3A_143 : i32
    %dma_start3A_145 = arith.constant 0 : i32
    %dma_start3A_146 = tpu.memref_slice %arg5[%add3A_144, %dma_start3A_145] : memref<8192x512xf32, #tpu.memory_space<hbm>> -> memref<32x512xf32, #tpu.memory_space<hbm>>
    %dma_start3A_147 = arith.constant 0 : i32
    %dma_start3A_148 = tpu.memref_slice %arg5[%add3A_144, %dma_start3A_147] : memref<8192x512xf32, #tpu.memory_space<hbm>> -> memref<32x512xf32, #tpu.memory_space<hbm>>
    tpu.enqueue_dma source(%arg10 : memref<32x512xf32, #tpu.memory_space<vmem>>) target(%dma_start3A_148 : memref<32x512xf32, #tpu.memory_space<hbm>>) target_semaphore(%arg24 : memref<!tpu.dma_semaphore, #tpu.memory_space<semaphore_mem>>)
    %dma_wait3A_149 = arith.constant 128 : i32
    %dma_wait3A_150 = tpu.memref_slice %arg6[%dma_wait3A_149] : memref<256xi32, #tpu.memory_space<vmem>> -> memref<32xi32, #tpu.memory_space<vmem>>
    %dma_wait3A_151 = arith.constant 0 : i32
    %dma_wait3A_152 = arith.constant 0 : i32
    %dma_wait3A_153 = tpu.memref_slice %arg3[%dma_wait3A_151, %dma_wait3A_152] : memref<100000x512xf32, #tpu.memory_space<hbm>> -> memref<100000x512xf32, #tpu.memory_space<hbm>>
    tpu.wait_indirect_dma semaphore(%arg18 : memref<!tpu.dma_semaphore, #tpu.memory_space<semaphore_mem>>) src(%dma_wait3A_153 : memref<100000x512xf32, #tpu.memory_space<hbm>>) dst(%arg11 : memref<32x512xf32, #tpu.memory_space<vmem>>)
    %add3A_154 = arith.constant 128 : i32
    %add3A_155 = arith.addi %mul3A_2, %add3A_154 : i32
    %dma_start3A_156 = arith.constant 0 : i32
    %dma_start3A_157 = tpu.memref_slice %arg4[%add3A_155, %dma_start3A_156] : memref<8192x512xf32, #tpu.memory_space<hbm>> -> memref<32x512xf32, #tpu.memory_space<hbm>>
    %dma_start3A_158 = arith.constant 0 : i32
    %dma_start3A_159 = tpu.memref_slice %arg4[%add3A_155, %dma_start3A_158] : memref<8192x512xf32, #tpu.memory_space<hbm>> -> memref<32x512xf32, #tpu.memory_space<hbm>>
    tpu.enqueue_dma source(%arg11 : memref<32x512xf32, #tpu.memory_space<vmem>>) target(%dma_start3A_159 : memref<32x512xf32, #tpu.memory_space<hbm>>) target_semaphore(%arg25 : memref<!tpu.dma_semaphore, #tpu.memory_space<semaphore_mem>>)
    %add3A_160 = arith.constant 128 : i32
    %add3A_161 = arith.addi %mul3A_2, %add3A_160 : i32
    %dma_start3A_162 = arith.constant 0 : i32
    %dma_start3A_163 = tpu.memref_slice %arg5[%add3A_161, %dma_start3A_162] : memref<8192x512xf32, #tpu.memory_space<hbm>> -> memref<32x512xf32, #tpu.memory_space<hbm>>
    %dma_start3A_164 = arith.constant 0 : i32
    %dma_start3A_165 = tpu.memref_slice %arg5[%add3A_161, %dma_start3A_164] : memref<8192x512xf32, #tpu.memory_space<hbm>> -> memref<32x512xf32, #tpu.memory_space<hbm>>
    tpu.enqueue_dma source(%arg11 : memref<32x512xf32, #tpu.memory_space<vmem>>) target(%dma_start3A_165 : memref<32x512xf32, #tpu.memory_space<hbm>>) target_semaphore(%arg25 : memref<!tpu.dma_semaphore, #tpu.memory_space<semaphore_mem>>)
    %dma_wait3A_166 = arith.constant 160 : i32
    %dma_wait3A_167 = tpu.memref_slice %arg6[%dma_wait3A_166] : memref<256xi32, #tpu.memory_space<vmem>> -> memref<32xi32, #tpu.memory_space<vmem>>
    %dma_wait3A_168 = arith.constant 0 : i32
    %dma_wait3A_169 = arith.constant 0 : i32
    %dma_wait3A_170 = tpu.memref_slice %arg3[%dma_wait3A_168, %dma_wait3A_169] : memref<100000x512xf32, #tpu.memory_space<hbm>> -> memref<100000x512xf32, #tpu.memory_space<hbm>>
    tpu.wait_indirect_dma semaphore(%arg19 : memref<!tpu.dma_semaphore, #tpu.memory_space<semaphore_mem>>) src(%dma_wait3A_170 : memref<100000x512xf32, #tpu.memory_space<hbm>>) dst(%arg12 : memref<32x512xf32, #tpu.memory_space<vmem>>)
    %add3A_171 = arith.constant 160 : i32
    %add3A_172 = arith.addi %mul3A_2, %add3A_171 : i32
    %dma_start3A_173 = arith.constant 0 : i32
    %dma_start3A_174 = tpu.memref_slice %arg4[%add3A_172, %dma_start3A_173] : memref<8192x512xf32, #tpu.memory_space<hbm>> -> memref<32x512xf32, #tpu.memory_space<hbm>>
    %dma_start3A_175 = arith.constant 0 : i32
    %dma_start3A_176 = tpu.memref_slice %arg4[%add3A_172, %dma_start3A_175] : memref<8192x512xf32, #tpu.memory_space<hbm>> -> memref<32x512xf32, #tpu.memory_space<hbm>>
    tpu.enqueue_dma source(%arg12 : memref<32x512xf32, #tpu.memory_space<vmem>>) target(%dma_start3A_176 : memref<32x512xf32, #tpu.memory_space<hbm>>) target_semaphore(%arg26 : memref<!tpu.dma_semaphore, #tpu.memory_space<semaphore_mem>>)
    %add3A_177 = arith.constant 160 : i32
    %add3A_178 = arith.addi %mul3A_2, %add3A_177 : i32
    %dma_start3A_179 = arith.constant 0 : i32
    %dma_start3A_180 = tpu.memref_slice %arg5[%add3A_178, %dma_start3A_179] : memref<8192x512xf32, #tpu.memory_space<hbm>> -> memref<32x512xf32, #tpu.memory_space<hbm>>
    %dma_start3A_181 = arith.constant 0 : i32
    %dma_start3A_182 = tpu.memref_slice %arg5[%add3A_178, %dma_start3A_181] : memref<8192x512xf32, #tpu.memory_space<hbm>> -> memref<32x512xf32, #tpu.memory_space<hbm>>
    tpu.enqueue_dma source(%arg12 : memref<32x512xf32, #tpu.memory_space<vmem>>) target(%dma_start3A_182 : memref<32x512xf32, #tpu.memory_space<hbm>>) target_semaphore(%arg26 : memref<!tpu.dma_semaphore, #tpu.memory_space<semaphore_mem>>)
    %dma_wait3A_183 = arith.constant 192 : i32
    %dma_wait3A_184 = tpu.memref_slice %arg6[%dma_wait3A_183] : memref<256xi32, #tpu.memory_space<vmem>> -> memref<32xi32, #tpu.memory_space<vmem>>
    %dma_wait3A_185 = arith.constant 0 : i32
    %dma_wait3A_186 = arith.constant 0 : i32
    %dma_wait3A_187 = tpu.memref_slice %arg3[%dma_wait3A_185, %dma_wait3A_186] : memref<100000x512xf32, #tpu.memory_space<hbm>> -> memref<100000x512xf32, #tpu.memory_space<hbm>>
    tpu.wait_indirect_dma semaphore(%arg20 : memref<!tpu.dma_semaphore, #tpu.memory_space<semaphore_mem>>) src(%dma_wait3A_187 : memref<100000x512xf32, #tpu.memory_space<hbm>>) dst(%arg13 : memref<32x512xf32, #tpu.memory_space<vmem>>)
    %add3A_188 = arith.constant 192 : i32
    %add3A_189 = arith.addi %mul3A_2, %add3A_188 : i32
    %dma_start3A_190 = arith.constant 0 : i32
    %dma_start3A_191 = tpu.memref_slice %arg4[%add3A_189, %dma_start3A_190] : memref<8192x512xf32, #tpu.memory_space<hbm>> -> memref<32x512xf32, #tpu.memory_space<hbm>>
    %dma_start3A_192 = arith.constant 0 : i32
    %dma_start3A_193 = tpu.memref_slice %arg4[%add3A_189, %dma_start3A_192] : memref<8192x512xf32, #tpu.memory_space<hbm>> -> memref<32x512xf32, #tpu.memory_space<hbm>>
    tpu.enqueue_dma source(%arg13 : memref<32x512xf32, #tpu.memory_space<vmem>>) target(%dma_start3A_193 : memref<32x512xf32, #tpu.memory_space<hbm>>) target_semaphore(%arg27 : memref<!tpu.dma_semaphore, #tpu.memory_space<semaphore_mem>>)
    %add3A_194 = arith.constant 192 : i32
    %add3A_195 = arith.addi %mul3A_2, %add3A_194 : i32
    %dma_start3A_196 = arith.constant 0 : i32
    %dma_start3A_197 = tpu.memref_slice %arg5[%add3A_195, %dma_start3A_196] : memref<8192x512xf32, #tpu.memory_space<hbm>> -> memref<32x512xf32, #tpu.memory_space<hbm>>
    %dma_start3A_198 = arith.constant 0 : i32
    %dma_start3A_199 = tpu.memref_slice %arg5[%add3A_195, %dma_start3A_198] : memref<8192x512xf32, #tpu.memory_space<hbm>> -> memref<32x512xf32, #tpu.memory_space<hbm>>
    tpu.enqueue_dma source(%arg13 : memref<32x512xf32, #tpu.memory_space<vmem>>) target(%dma_start3A_199 : memref<32x512xf32, #tpu.memory_space<hbm>>) target_semaphore(%arg27 : memref<!tpu.dma_semaphore, #tpu.memory_space<semaphore_mem>>)
    %dma_wait3A_200 = arith.constant 224 : i32
    %dma_wait3A_201 = tpu.memref_slice %arg6[%dma_wait3A_200] : memref<256xi32, #tpu.memory_space<vmem>> -> memref<32xi32, #tpu.memory_space<vmem>>
    %dma_wait3A_202 = arith.constant 0 : i32
    %dma_wait3A_203 = arith.constant 0 : i32
    %dma_wait3A_204 = tpu.memref_slice %arg3[%dma_wait3A_202, %dma_wait3A_203] : memref<100000x512xf32, #tpu.memory_space<hbm>> -> memref<100000x512xf32, #tpu.memory_space<hbm>>
    tpu.wait_indirect_dma semaphore(%arg14 : memref<!tpu.dma_semaphore, #tpu.memory_space<semaphore_mem>>) src(%dma_wait3A_204 : memref<100000x512xf32, #tpu.memory_space<hbm>>) dst(%arg7 : memref<32x512xf32, #tpu.memory_space<vmem>>)
    %add3A_205 = arith.constant 224 : i32
    %add3A_206 = arith.addi %mul3A_2, %add3A_205 : i32
    %dma_start3A_207 = arith.constant 0 : i32
    %dma_start3A_208 = tpu.memref_slice %arg4[%add3A_206, %dma_start3A_207] : memref<8192x512xf32, #tpu.memory_space<hbm>> -> memref<32x512xf32, #tpu.memory_space<hbm>>
    %dma_start3A_209 = arith.constant 0 : i32
    %dma_start3A_210 = tpu.memref_slice %arg4[%add3A_206, %dma_start3A_209] : memref<8192x512xf32, #tpu.memory_space<hbm>> -> memref<32x512xf32, #tpu.memory_space<hbm>>
    tpu.enqueue_dma source(%arg7 : memref<32x512xf32, #tpu.memory_space<vmem>>) target(%dma_start3A_210 : memref<32x512xf32, #tpu.memory_space<hbm>>) target_semaphore(%arg21 : memref<!tpu.dma_semaphore, #tpu.memory_space<semaphore_mem>>)
    %add3A_211 = arith.constant 224 : i32
    %add3A_212 = arith.addi %mul3A_2, %add3A_211 : i32
    %dma_start3A_213 = arith.constant 0 : i32
    %dma_start3A_214 = tpu.memref_slice %arg5[%add3A_212, %dma_start3A_213] : memref<8192x512xf32, #tpu.memory_space<hbm>> -> memref<32x512xf32, #tpu.memory_space<hbm>>
    %dma_start3A_215 = arith.constant 0 : i32
    %dma_start3A_216 = tpu.memref_slice %arg5[%add3A_212, %dma_start3A_215] : memref<8192x512xf32, #tpu.memory_space<hbm>> -> memref<32x512xf32, #tpu.memory_space<hbm>>
    tpu.enqueue_dma source(%arg7 : memref<32x512xf32, #tpu.memory_space<vmem>>) target(%dma_start3A_216 : memref<32x512xf32, #tpu.memory_space<hbm>>) target_semaphore(%arg21 : memref<!tpu.dma_semaphore, #tpu.memory_space<semaphore_mem>>)
    %dma_wait3A_217 = arith.constant 0 : i32
    %dma_wait3A_218 = tpu.memref_slice %arg4[%add3A_104, %dma_wait3A_217] : memref<8192x512xf32, #tpu.memory_space<hbm>> -> memref<32x512xf32, #tpu.memory_space<hbm>>
    %dma_wait3A_219 = arith.constant 0 : i32
    %dma_wait3A_220 = tpu.memref_slice %arg4[%add3A_104, %dma_wait3A_219] : memref<8192x512xf32, #tpu.memory_space<hbm>> -> memref<32x512xf32, #tpu.memory_space<hbm>>
    tpu.wait_dma2 semaphore(%arg22 : memref<!tpu.dma_semaphore, #tpu.memory_space<semaphore_mem>>) src(%arg8 : memref<32x512xf32, #tpu.memory_space<vmem>>) dst(%dma_wait3A_220 : memref<32x512xf32, #tpu.memory_space<hbm>>)
    %dma_wait3A_221 = arith.constant 0 : i32
    %dma_wait3A_222 = tpu.memref_slice %arg5[%add3A_110, %dma_wait3A_221] : memref<8192x512xf32, #tpu.memory_space<hbm>> -> memref<32x512xf32, #tpu.memory_space<hbm>>
    %dma_wait3A_223 = arith.constant 0 : i32
    %dma_wait3A_224 = tpu.memref_slice %arg5[%add3A_110, %dma_wait3A_223] : memref<8192x512xf32, #tpu.memory_space<hbm>> -> memref<32x512xf32, #tpu.memory_space<hbm>>
    tpu.wait_dma2 semaphore(%arg22 : memref<!tpu.dma_semaphore, #tpu.memory_space<semaphore_mem>>) src(%arg8 : memref<32x512xf32, #tpu.memory_space<vmem>>) dst(%dma_wait3A_224 : memref<32x512xf32, #tpu.memory_space<hbm>>)
    %dma_wait3A_225 = arith.constant 0 : i32
    %dma_wait3A_226 = tpu.memref_slice %arg4[%add3A_121, %dma_wait3A_225] : memref<8192x512xf32, #tpu.memory_space<hbm>> -> memref<32x512xf32, #tpu.memory_space<hbm>>
    %dma_wait3A_227 = arith.constant 0 : i32
    %dma_wait3A_228 = tpu.memref_slice %arg4[%add3A_121, %dma_wait3A_227] : memref<8192x512xf32, #tpu.memory_space<hbm>> -> memref<32x512xf32, #tpu.memory_space<hbm>>
    tpu.wait_dma2 semaphore(%arg23 : memref<!tpu.dma_semaphore, #tpu.memory_space<semaphore_mem>>) src(%arg9 : memref<32x512xf32, #tpu.memory_space<vmem>>) dst(%dma_wait3A_228 : memref<32x512xf32, #tpu.memory_space<hbm>>)
    %dma_wait3A_229 = arith.constant 0 : i32
    %dma_wait3A_230 = tpu.memref_slice %arg5[%add3A_127, %dma_wait3A_229] : memref<8192x512xf32, #tpu.memory_space<hbm>> -> memref<32x512xf32, #tpu.memory_space<hbm>>
    %dma_wait3A_231 = arith.constant 0 : i32
    %dma_wait3A_232 = tpu.memref_slice %arg5[%add3A_127, %dma_wait3A_231] : memref<8192x512xf32, #tpu.memory_space<hbm>> -> memref<32x512xf32, #tpu.memory_space<hbm>>
    tpu.wait_dma2 semaphore(%arg23 : memref<!tpu.dma_semaphore, #tpu.memory_space<semaphore_mem>>) src(%arg9 : memref<32x512xf32, #tpu.memory_space<vmem>>) dst(%dma_wait3A_232 : memref<32x512xf32, #tpu.memory_space<hbm>>)
    %dma_wait3A_233 = arith.constant 0 : i32
    %dma_wait3A_234 = tpu.memref_slice %arg4[%add3A_138, %dma_wait3A_233] : memref<8192x512xf32, #tpu.memory_space<hbm>> -> memref<32x512xf32, #tpu.memory_space<hbm>>
    %dma_wait3A_235 = arith.constant 0 : i32
    %dma_wait3A_236 = tpu.memref_slice %arg4[%add3A_138, %dma_wait3A_235] : memref<8192x512xf32, #tpu.memory_space<hbm>> -> memref<32x512xf32, #tpu.memory_space<hbm>>
    tpu.wait_dma2 semaphore(%arg24 : memref<!tpu.dma_semaphore, #tpu.memory_space<semaphore_mem>>) src(%arg10 : memref<32x512xf32, #tpu.memory_space<vmem>>) dst(%dma_wait3A_236 : memref<32x512xf32, #tpu.memory_space<hbm>>)
    %dma_wait3A_237 = arith.constant 0 : i32
    %dma_wait3A_238 = tpu.memref_slice %arg5[%add3A_144, %dma_wait3A_237] : memref<8192x512xf32, #tpu.memory_space<hbm>> -> memref<32x512xf32, #tpu.memory_space<hbm>>
    %dma_wait3A_239 = arith.constant 0 : i32
    %dma_wait3A_240 = tpu.memref_slice %arg5[%add3A_144, %dma_wait3A_239] : memref<8192x512xf32, #tpu.memory_space<hbm>> -> memref<32x512xf32, #tpu.memory_space<hbm>>
    tpu.wait_dma2 semaphore(%arg24 : memref<!tpu.dma_semaphore, #tpu.memory_space<semaphore_mem>>) src(%arg10 : memref<32x512xf32, #tpu.memory_space<vmem>>) dst(%dma_wait3A_240 : memref<32x512xf32, #tpu.memory_space<hbm>>)
    %dma_wait3A_241 = arith.constant 0 : i32
    %dma_wait3A_242 = tpu.memref_slice %arg4[%add3A_155, %dma_wait3A_241] : memref<8192x512xf32, #tpu.memory_space<hbm>> -> memref<32x512xf32, #tpu.memory_space<hbm>>
    %dma_wait3A_243 = arith.constant 0 : i32
    %dma_wait3A_244 = tpu.memref_slice %arg4[%add3A_155, %dma_wait3A_243] : memref<8192x512xf32, #tpu.memory_space<hbm>> -> memref<32x512xf32, #tpu.memory_space<hbm>>
    tpu.wait_dma2 semaphore(%arg25 : memref<!tpu.dma_semaphore, #tpu.memory_space<semaphore_mem>>) src(%arg11 : memref<32x512xf32, #tpu.memory_space<vmem>>) dst(%dma_wait3A_244 : memref<32x512xf32, #tpu.memory_space<hbm>>)
    %dma_wait3A_245 = arith.constant 0 : i32
    %dma_wait3A_246 = tpu.memref_slice %arg5[%add3A_161, %dma_wait3A_245] : memref<8192x512xf32, #tpu.memory_space<hbm>> -> memref<32x512xf32, #tpu.memory_space<hbm>>
    %dma_wait3A_247 = arith.constant 0 : i32
    %dma_wait3A_248 = tpu.memref_slice %arg5[%add3A_161, %dma_wait3A_247] : memref<8192x512xf32, #tpu.memory_space<hbm>> -> memref<32x512xf32, #tpu.memory_space<hbm>>
    tpu.wait_dma2 semaphore(%arg25 : memref<!tpu.dma_semaphore, #tpu.memory_space<semaphore_mem>>) src(%arg11 : memref<32x512xf32, #tpu.memory_space<vmem>>) dst(%dma_wait3A_248 : memref<32x512xf32, #tpu.memory_space<hbm>>)
    %dma_wait3A_249 = arith.constant 0 : i32
    %dma_wait3A_250 = tpu.memref_slice %arg4[%add3A_172, %dma_wait3A_249] : memref<8192x512xf32, #tpu.memory_space<hbm>> -> memref<32x512xf32, #tpu.memory_space<hbm>>
    %dma_wait3A_251 = arith.constant 0 : i32
    %dma_wait3A_252 = tpu.memref_slice %arg4[%add3A_172, %dma_wait3A_251] : memref<8192x512xf32, #tpu.memory_space<hbm>> -> memref<32x512xf32, #tpu.memory_space<hbm>>
    tpu.wait_dma2 semaphore(%arg26 : memref<!tpu.dma_semaphore, #tpu.memory_space<semaphore_mem>>) src(%arg12 : memref<32x512xf32, #tpu.memory_space<vmem>>) dst(%dma_wait3A_252 : memref<32x512xf32, #tpu.memory_space<hbm>>)
    %dma_wait3A_253 = arith.constant 0 : i32
    %dma_wait3A_254 = tpu.memref_slice %arg5[%add3A_178, %dma_wait3A_253] : memref<8192x512xf32, #tpu.memory_space<hbm>> -> memref<32x512xf32, #tpu.memory_space<hbm>>
    %dma_wait3A_255 = arith.constant 0 : i32
    %dma_wait3A_256 = tpu.memref_slice %arg5[%add3A_178, %dma_wait3A_255] : memref<8192x512xf32, #tpu.memory_space<hbm>> -> memref<32x512xf32, #tpu.memory_space<hbm>>
    tpu.wait_dma2 semaphore(%arg26 : memref<!tpu.dma_semaphore, #tpu.memory_space<semaphore_mem>>) src(%arg12 : memref<32x512xf32, #tpu.memory_space<vmem>>) dst(%dma_wait3A_256 : memref<32x512xf32, #tpu.memory_space<hbm>>)
    %dma_wait3A_257 = arith.constant 0 : i32
    %dma_wait3A_258 = tpu.memref_slice %arg4[%add3A_189, %dma_wait3A_257] : memref<8192x512xf32, #tpu.memory_space<hbm>> -> memref<32x512xf32, #tpu.memory_space<hbm>>
    %dma_wait3A_259 = arith.constant 0 : i32
    %dma_wait3A_260 = tpu.memref_slice %arg4[%add3A_189, %dma_wait3A_259] : memref<8192x512xf32, #tpu.memory_space<hbm>> -> memref<32x512xf32, #tpu.memory_space<hbm>>
    tpu.wait_dma2 semaphore(%arg27 : memref<!tpu.dma_semaphore, #tpu.memory_space<semaphore_mem>>) src(%arg13 : memref<32x512xf32, #tpu.memory_space<vmem>>) dst(%dma_wait3A_260 : memref<32x512xf32, #tpu.memory_space<hbm>>)
    %dma_wait3A_261 = arith.constant 0 : i32
    %dma_wait3A_262 = tpu.memref_slice %arg5[%add3A_195, %dma_wait3A_261] : memref<8192x512xf32, #tpu.memory_space<hbm>> -> memref<32x512xf32, #tpu.memory_space<hbm>>
    %dma_wait3A_263 = arith.constant 0 : i32
    %dma_wait3A_264 = tpu.memref_slice %arg5[%add3A_195, %dma_wait3A_263] : memref<8192x512xf32, #tpu.memory_space<hbm>> -> memref<32x512xf32, #tpu.memory_space<hbm>>
    tpu.wait_dma2 semaphore(%arg27 : memref<!tpu.dma_semaphore, #tpu.memory_space<semaphore_mem>>) src(%arg13 : memref<32x512xf32, #tpu.memory_space<vmem>>) dst(%dma_wait3A_264 : memref<32x512xf32, #tpu.memory_space<hbm>>)
    %dma_wait3A_265 = arith.constant 0 : i32
    %dma_wait3A_266 = tpu.memref_slice %arg4[%add3A_206, %dma_wait3A_265] : memref<8192x512xf32, #tpu.memory_space<hbm>> -> memref<32x512xf32, #tpu.memory_space<hbm>>
    %dma_wait3A_267 = arith.constant 0 : i32
    %dma_wait3A_268 = tpu.memref_slice %arg4[%add3A_206, %dma_wait3A_267] : memref<8192x512xf32, #tpu.memory_space<hbm>> -> memref<32x512xf32, #tpu.memory_space<hbm>>
    tpu.wait_dma2 semaphore(%arg21 : memref<!tpu.dma_semaphore, #tpu.memory_space<semaphore_mem>>) src(%arg7 : memref<32x512xf32, #tpu.memory_space<vmem>>) dst(%dma_wait3A_268 : memref<32x512xf32, #tpu.memory_space<hbm>>)
    %dma_wait3A_269 = arith.constant 0 : i32
    %dma_wait3A_270 = tpu.memref_slice %arg5[%add3A_212, %dma_wait3A_269] : memref<8192x512xf32, #tpu.memory_space<hbm>> -> memref<32x512xf32, #tpu.memory_space<hbm>>
    %dma_wait3A_271 = arith.constant 0 : i32
    %dma_wait3A_272 = tpu.memref_slice %arg5[%add3A_212, %dma_wait3A_271] : memref<8192x512xf32, #tpu.memory_space<hbm>> -> memref<32x512xf32, #tpu.memory_space<hbm>>
    tpu.wait_dma2 semaphore(%arg21 : memref<!tpu.dma_semaphore, #tpu.memory_space<semaphore_mem>>) src(%arg7 : memref<32x512xf32, #tpu.memory_space<vmem>>) dst(%dma_wait3A_272 : memref<32x512xf32, #tpu.memory_space<hbm>>)
    return
  }
}

</mosaic_0001>

<sc_bundles>
// kernel: kernel.3.cloned.1.call-start
scs
__scs_entry_jumppad:
0x0: {  	(pc) =	sbr.rel $0x88, $3  }
0x1: {  	(tag) =	ssettag $0x0;
	lr =	simm.s32 $0x1  }
0x2: {  	[smem:$0x3F9F] =	sst lr;
	_ =	strace $0xD0000000  }
0x3: {  	_ = 	snop  }
0x4: {  	_ = 	snop  }
0x5: {  	_ = 	snop  }
0x6: {  	_ = 	snop  }
0x7: {  	_ = 	snop  }
__scs_overlays_trampoline_lowered:
0x8: {  	[smem:$0x3FAE] =	sst s0  }
0x9: {  	[smem:$0x3FAF] =	sst s1  }
0xa: {  	[smem:$0x3FB0] =	sst s2  }
0xb: {  	[smem:$0x3FB1] =	sst s3  }
0xc: {  	[smem:$0x3FB2] =	sst s4  }
0xd: {  	[smem:$0x3FB3] =	sst s5  }
0xe: {  	[smem:$0x3FB4] =	sst s6  }
0xf: {  	[smem:$0x3FB5] =	sst s7  }
0x10: {  	[smem:$0x3FB6] =	sst s8  }
0x11: {  	[smem:$0x3FB7] =	sst s9;
	s0 =	simm.s32 @!p0 $0x0  }
0x12: {  	s1 =	sld [smem:$0x3F9D];
	s0 =	simm.s32 @p0 $0x1  }
0x13: {  	[smem:$0x3FB8] =	sst s0;
	s0 =	simm.s32 @!p1 $0x0  }
0x14: {  	s2 =	sld [smem:$0x3F9C];
	s0 =	simm.s32 @p1 $0x1  }
0x15: {  	[smem:$0x3FB9] =	sst s0;
	s0 =	simm.s32 @!p2 $0x0  }
0x16: {  	s3 =	sld [smem:$0x3FDB];
	s0 =	simm.s32 @p2 $0x1  }
0x17: {  	s4 =	simm.s32 $0x1BF5;
	[smem:$0x3FBB] =	sst s0  }
0x18: {  	s0 =	sld [smem:$0x3F9E];
	_ =	swait.ge [sflag:s4], $0x0  }
0x19: {  	s7 =	sld [smem:$0x3F9F]  }
0x1a: {  	s8 =	sadd.s32 $0xFFFFE003, lr  }
0x1b: {  	s9 =	sadd.s32 $0xFFFFFEF7, lr;
	s5 =	simm.s32 $0xFFFFFFFF;
	p2 =	slt.u32 s8, $0xFFFFF086  }
0x1c: {  	p1 =	slt.u32 s9, $0xF7A;
	s5 =	simm.s32 @!p2 $0x0  }
0x1d: {  	s5 =	simm.s32 @p1 $0x1;
	p0 =	seq.s32 s7, s2  }
0x1e: {  	s7 =	smul.u32 @!p0 $0xF7A, s2;
	p2 =	seq.s32 @!p0 s5, $0x0  }
0x1f: {  	s9 =	smul.u32 $0xF7A, s1;
	s8 =	simm.s32 @!p0 $0x1BF5;
	p2 =	por !p2, p0  }
0x20: {  	[sflag:s8] =	ssyncset.s32 @!p0 $0xFFFFF086;
	s6 =	sadd.s32 @!p0 s3, s7;
	s7 =	simm.s32 @!p0 $0x108  }
0x21: {  	s3 =	sadd.s32 s3, s9;
	s6 =	sadd.s32 @!p0 $0x88, s6;
	s7 =	simm.s32 @p2 $0x1082  }
0x22: {  	[simem:s7], [sflag:s8] =	dma.local @!p0 [hbm:s6], $0xF7A  }
0x23: {  	s9 =	sor.u32 $0xD0000000, s2;
	s6 =	simm.s32 $0x108;
	_ =	swait.ge @!p0 [sflag:s8], $0x0  }
0x24: {  	s3 =	sadd.s32 $0x88, s3;
	s6 =	simm.s32 @!p1 $0x1082;
	[sflag:s4] =	ssyncset.s32 $0xFFFFF086  }
0x25: {  	[simem:s6], [sflag:s4] =	dma.local [hbm:s3], $0xF7A  }
0x26: {  	[smem:$0x3F9F] =	sst s1;
	(tag) =	ssettag s2;
	_ =	strace s9  }
0x27: {  	s1 =	sld [smem:$0x3FAF]  }
0x28: {  	s2 =	sld [smem:$0x3FB0]  }
0x29: {  	s4 =	sld [smem:$0x3FB2]  }
0x2a: {  	p0 =	seq.s32 s5, $0x0;
	s5 =	sld [smem:$0x3FB3]  }
0x2b: {  	s6 =	sld [smem:$0x3FB4]  }
0x2c: {  	s7 =	sld [smem:$0x3FB5]  }
0x2d: {  	s3 =	simm.s32 $0x108;
	s8 =	sld [smem:$0x3FB6]  }
0x2e: {  	s3 =	simm.s32 @!p0 $0x1082;
	s9 =	sld [smem:$0x3FB7]  }
0x2f: {  	lr =	sadd.s32 s0, s3;
	s0 =	sld [smem:$0x3FAE]  }
0x30: {  	s3 =	sld [smem:$0x3FB1]  }
0x31: {  	[smem:$0x3FBA] =	sst s10  }
0x32: {  	s10 =	sld [smem:$0x3FB8];
	_ =	sdelay $0x3  }
0x33: {  	p0 =	seq.s32 s10, $0x1;
	s10 =	sld [smem:$0x3FBA];
	_ =	sdelay $0x3  }
0x34: {  	[smem:$0x3FBA] =	sst s10  }
0x35: {  	s10 =	sld [smem:$0x3FB9];
	_ =	sdelay $0x3  }
0x36: {  	p1 =	seq.s32 s10, $0x1;
	s10 =	sld [smem:$0x3FBA];
	_ =	sdelay $0x3  }
0x37: {  	[smem:$0x3FBA] =	sst s10  }
0x38: {  	s10 =	sld [smem:$0x3FBB]  }
0x39: {  	_ = 	snop;
	(pc) =	sbr.ind lr, $3  }
0x3a: {  	_ = 	snop  }
0x3b: {  	_ = 	snop  }
0x3c: {  	p2 =	seq.s32 s10, $0x1;
	s10 =	sld [smem:$0x3FBA]  }
0x3d: {  	_ =	shalt  }
0x3e: {  	_ =	shalt  }
0x3f: {  	_ =	shalt  }
0x40: {  	_ =	shalt  }
0x41: {  	_ =	shalt  }
0x42: {  	_ =	shalt  }
0x43: {  	_ =	shalt  }
0x44: {  	_ =	shalt  }
0x45: {  	_ =	shalt  }
0x46: {  	_ =	shalt  }
0x47: {  	_ =	shalt  }
0x48: {  	_ =	shalt  }
0x49: {  	_ =	shalt  }
0x4a: {  	_ =	shalt  }
0x4b: {  	_ =	shalt  }
0x4c: {  	_ =	shalt  }
0x4d: {  	_ =	shalt  }
0x4e: {  	_ =	shalt  }
0x4f: {  	_ =	shalt  }
0x50: {  	_ =	shalt  }
0x51: {  	_ =	shalt  }
0x52: {  	_ =	shalt  }
0x53: {  	_ =	shalt  }
0x54: {  	_ =	shalt  }
0x55: {  	_ =	shalt  }
0x56: {  	_ =	shalt  }
0x57: {  	_ =	shalt  }
0x58: {  	_ =	shalt  }
0x59: {  	_ =	shalt  }
0x5a: {  	_ =	shalt  }
0x5b: {  	_ =	shalt  }
0x5c: {  	_ =	shalt  }
0x5d: {  	_ =	shalt  }
0x5e: {  	_ =	shalt  }
0x5f: {  	_ =	shalt  }
0x60: {  	_ =	shalt  }
0x61: {  	_ =	shalt  }
0x62: {  	_ =	shalt  }
0x63: {  	_ =	shalt  }
0x64: {  	_ =	shalt  }
0x65: {  	_ =	shalt  }
0x66: {  	_ =	shalt  }
0x67: {  	_ =	shalt  }
0x68: {  	_ =	shalt  }
0x69: {  	_ =	shalt  }
0x6a: {  	_ =	shalt  }
0x6b: {  	_ =	shalt  }
0x6c: {  	_ =	shalt  }
0x6d: {  	_ =	shalt  }
0x6e: {  	_ =	shalt  }
0x6f: {  	_ =	shalt  }
0x70: {  	_ =	shalt  }
0x71: {  	_ =	shalt  }
0x72: {  	_ =	shalt  }
0x73: {  	_ =	shalt  }
0x74: {  	_ =	shalt  }
0x75: {  	_ =	shalt  }
0x76: {  	_ =	shalt  }
0x77: {  	_ =	shalt  }
0x78: {  	_ =	shalt  }
0x79: {  	_ =	shalt  }
0x7a: {  	_ =	shalt  }
0x7b: {  	_ =	shalt  }
0x7c: {  	_ =	shalt  }
0x7d: {  	_ =	shalt  }
0x7e: {  	_ =	shalt  }
0x7f: {  	_ =	shalt  }
0x80: {  	_ =	shalt  }
0x81: {  	_ =	shalt  }
0x82: {  	_ =	shalt  }
0x83: {  	_ =	shalt  }
0x84: {  	_ =	shalt  }
0x85: {  	_ =	shalt  }
0x86: {  	_ =	shalt  }
0x87: {  	_ =	shalt  }
.Lfunc_end0:
.L_simem_size_0:
called_computation_lowered:
.L_overlay_start_0:
0x88: {  	s2 =	sld [smem:$0x3FD9]  }
0x89: {  	s3 =	sld [smem:$0x3FFE];
	_ =	sdelay $0x1  }
0x8a: {  	s1 =	srdreg.scid  }
0x8b: {  	s0 =	sand.u32 $0x1, s1  }
0x8c: {  	s15 =	sshll.u32 s0, $0xA;
	s2 =	sadd.s32 s3, s2  }
0x8d: {  	s2 =	sadd.s32 s2, s15  }
0x8e: {  	[smem:$0x3FC6] =	sst s2  }
0x8f: {  	_ = 	snop  }
0x90: {  	s2 =	sld [smem:$0x3FD0];
	_ =	sdelay $0x1  }
0x91: {  	s16 =	sld [smem:$0x3FC9]  }
0x92: {  	s5 =	simm.s32 $0xA;
	s6 =	simm.s32 $0x10;
	s4 =	sld [smem:$0x3FC8]  }
0x93: {  	[smem:s6], [sflag:s5] =	dma.local [hbm:s2], $0x1  }
0x94: {  	_ =	swait.eq [sflag:s5], $0x1  }
0x95: {  	[sflag:s5] =	ssyncset.done $0x0  }
0x96: {  	s17 =	sld [smem:$0x10];
	[sflag:s5] =	ssyncadd.s32 $0xFFFFFFFF  }
0x97: {  	s18 =	sld [smem:$0x11];
	(tm) =	ssettm $0x1  }
0x98: {  	s19 =	sld [smem:$0x3FFB];
	_ =	sdelay $0x3  }
0x99: {  	_ =	strace s19  }
0x9a: {  	s6 =	sld [smem:$0x3FFC];
	_ =	sdelay $0x3  }
0x9b: {  	_ =	strace s6  }
0x9c: {  	s6 =	sld [smem:$0x3FFD];
	_ =	sdelay $0x3  }
0x9d: {  	_ =	strace s6  }
0x9e: {  	_ =	strace $0x8FFFFFFF  }
0x9f: {  	s20 =	sld [smem:$0x3FDB];
	_ =	sdelay $0x1  }
0xa0: {  	s7 =	simm.s32 $_scs_section_size  }
0xa1: {  	s8 =	simm.s32 $_size__tile_overlayer_lowered;
	s9 =	simm.s32 $_tile_overlayer_lowered  }
0xa2: {  	s23 =	simm.s32 $0x1BFF;
	s22 =	sshll.u32 s9, $0x1;
	s6 =	sadd.s32 s7, s20  }
0xa3: {  	s10 =	simm.s32 $0x0;
	s21 =	sshll.u32 s8, $0x1;
	s8 =	sadd.s32 s22, s6  }
0xa4: {  	[timem:s10], [sflag:s23] =	dma.local [hbm:s8], s21  }
0xa5: {  	_ =	swait.ge [sflag:s23], s21  }
0xa6: {  	s7 =	ssub.s32 $0x0, s21;
	[sflag:s23] =	ssyncset.done $0x0  }
0xa7: {  	[sflag:s23] =	ssyncadd.s32 s7;
	_ =	sdelay $0x1  }
0xa8: {  	s24 =	simm.s32 $0x1B8B  }
0xa9: {  	_ =	swait.ge [sflag:s24], $0x1  }
0xaa: {  	[sflag:s24] =	ssyncset.done $0x0  }
0xab: {  	s25 =	simm.s32 $0x1B8E;
	[sflag:s24] =	ssyncadd.s32 $0xFFFFFFFF  }
0xac: {  	s26 =	simm.s32 $execute0_lowered;
	[smem:$0x3FD2] =	sst s25  }
0xad: {  	s7 =	sshll.u32 s26, $0x1;
	_ =	strace $0x80000046;
	[dreg:$0x1] =	wrdreg $0xFFFFFFFF  }
0xae: {  	s28 =	simm.s32 $_size_execute0_lowered;
	s6 =	sadd.s32 s6, s7;
	[dreg:$0x0] =	wrdreg $0x0  }
0xaf: {  	s7 =	sshll.u32 s28, $0x1;
	[dreg:$0x2] =	wrdreg s6  }
0xb0: {  	[dreg:$0x3] =	wrdreg s7  }
0xb1: {  	[dreg:$0x4] =	wrdreg $0xC0  }
0xb2: {  	_ =	task [dreg:s10], $0x5FFFF  }
0xb3: {  	[dreg:$0x1] =	wrdreg $0xFFFFFFFF  }
0xb4: {  	[dreg:$0x0] =	wrdreg $0x60  }
0xb5: {  	[dreg:$0x2] =	wrdreg s16  }
0xb6: {  	[dreg:$0x3] =	wrdreg s4  }
0xb7: {  	[dreg:$0x4] =	wrdreg s17  }
0xb8: {  	[dreg:$0x5] =	wrdreg s18  }
0xb9: {  	[dreg:$0x6] =	wrdreg $0x9  }
0xba: {  	_ =	task.clear_ibuf [dreg:s10], $0x7FFFF;
	_ =	strace $0x90000046  }
0xbb: {  	s29 =	simm.s32 $0x9;
	_ =	strace $0x80000048  }
0xbc: {  	_ =	swait.ge [sflag:s29], $0x1  }
0xbd: {  	[sflag:s29] =	ssyncadd.s32 $0xFFFFFFFF  }
0xbe: {  	_ =	strace $0x90000048  }
0xbf: {  	_ =	sfence  }
0xc0: {  	s30 =	sld [smem:$0x0];
	_ =	sdelay $0x2  }
0xc1: {  	s31 =	sshll.u32 s1, $0xD;
	s1 =	sshrl.u32 s1, $0x2  }
0xc2: {  	s3 =	sand.u32 $0x4000, s31;
	s1 =	sadd.s32 s1, s30  }
0xc3: {  	s0 =	sor.u32 s3, s0;
	s1 =	sshll.u32 s1, $0x11  }
0xc4: {  	s0 =	sor.u32 s1, s0  }
0xc5: {  	s0 =	sadd.s32 $0x8F2B, s0  }
0xc6: {  	[sflag:s0] =	ssyncadd.remote.s32 $0x1  }
0xc7: {  	_ =	sfence.sel $0xFFFF  }
0xc8: {  	[dreg:$0x0] =	wrdreg $0xFFFFFFFF;
	(pc) =	sbr.abs _section_cstart, $3  }
0xc9: {  	[dreg:$0x1] =	wrdreg $0xFFFFFFFF  }
0xca: {  	_ =	task.clear_ibuf [dreg:s10], $0x2FFFF;
	_ =	strace $0x9FFFFFFF  }
0xcb: {  	(tm) =	ssettm $0x7FFFFFFF  }
tec
execute0_lowered:
.L_overlay_start_1:
0x0: {  	(tag) =	ssettag $0x1  }
0x1: {  	s2 =	rddreg [dreg:$0x0]  }
0x2: {  	s1 =	rddreg [dreg:$0x1]  }
0x3: {  	s4 =	rddreg [dreg:$0x2];
	s0 =	srdreg.scid  }
0x4: {  	s7 =	stileid.u32;
	s5 =	rddreg [dreg:$0x3]  }
0x5: {  	s0 =	sand.u32 $0x1, s0;
	s3 =	sshll.u32 s7, $0x1;
	s7 =	sshll.u32 s7, $0x2  }
0x6: {  	s6 =	sor.u32 s0, s3;
	s3 =	simm.s32 $0x0;
	s7 =	sand.u32 $0x30, s7  }
0x7: {  	s8 =	sshll.u32 s6, $0x7;
	[smem:$0x7FF] =	sst s3;
	s6 =	sshll.u32 s6, $0xE  }
0x8: {  	s2 =	sadd.s32 s2, s7;
	s8 =	sand.u32 $0x380, s8;
	s26 =	sadd.s32 s4, s6  }
0x9: {  	_ =	strace $0x80000047;
	s7 =	sadd.s32 s5, s6;
	[dreg:$0x6] =	wrdreg s26  }
0xa: {  	s11 =	sor.u32 $0x1000, s6;
	s2 =	sadd.s32 s8, s2;
	[dreg:$0x7] =	wrdreg s7  }
0xb: {  	s12 =	sadd.s32 s4, s11;
	[dreg:$0x5] =	wrdreg s2  }
0xc: {  	s14 =	sor.u32 $0x1800, s6;
	s13 =	sadd.s32 s5, s11;
	[dreg:$0xa] =	wrdreg s12  }
0xd: {  	s15 =	sadd.s32 s4, s14;
	[dreg:$0xb] =	wrdreg s13  }
0xe: {  	s17 =	sor.u32 $0x2000, s6;
	s16 =	sadd.s32 s5, s14;
	[dreg:$0xc] =	wrdreg s15  }
0xf: {  	s18 =	sadd.s32 s4, s17;
	[dreg:$0xd] =	wrdreg s16  }
0x10: {  	s20 =	sor.u32 $0x2800, s6;
	s19 =	sadd.s32 s5, s17;
	[dreg:$0xe] =	wrdreg s18  }
0x11: {  	s21 =	sadd.s32 s4, s20;
	[dreg:$0xf] =	wrdreg s19  }
0x12: {  	s23 =	sor.u32 $0x3000, s6;
	s22 =	sadd.s32 s5, s20;
	[dreg:$0x10] =	wrdreg s21  }
0x13: {  	s24 =	sadd.s32 s4, s23;
	[dreg:$0x11] =	wrdreg s22  }
0x14: {  	s25 =	sadd.s32 s5, s23;
	[dreg:$0x12] =	wrdreg s24  }
0x15: {  	s7 =	simm.s32 $0x4900;
	[dreg:$0x13] =	wrdreg s25  }
0x16: {  	s11 =	simm.s32 $0x6900;
	[dreg:$0x18] =	wrdreg s7  }
0x17: {  	s14 =	simm.s32 $0x8900;
	[dreg:$0x1c] =	wrdreg s11  }
0x18: {  	s17 =	simm.s32 $0xA100;
	[dreg:$0x1f] =	wrdreg s14  }
0x19: {  	s20 =	simm.s32 $0xB900;
	[smem:$0x7DE] =	sst s17  }
0x1a: {  	s8 =	sor.u32 $0x800, s6;
	s23 =	simm.s32 $0xD900;
	[smem:$0x7E1] =	sst s20  }
0x1b: {  	s9 =	sadd.s32 s4, s8;
	[smem:$0x7E4] =	sst s23  }
0x1c: {  	s6 =	sor.u32 $0x3800, s6;
	s10 =	sadd.s32 s5, s8;
	[dreg:$0x8] =	wrdreg s9  }
0x1d: {  	s26 =	sadd.s32 s4, s6;
	[dreg:$0x9] =	wrdreg s10  }
0x1e: {  	s4 =	sadd.s32 s5, s6;
	[dreg:$0x14] =	wrdreg s26  }
0x1f: {  	s5 =	simm.s32 $0x80;
	[dreg:$0x15] =	wrdreg s4  }
0x20: {  	s6 =	simm.s32 $0x200;
	[dreg:$0x16] =	wrdreg s5  }
0x21: {  	s8 =	simm.s32 $0x5100;
	[dreg:$0x17] =	wrdreg s6  }
0x22: {  	s12 =	simm.s32 $0x7100;
	[dreg:$0x19] =	wrdreg s8  }
0x23: {  	s13 =	simm.s32 $0x7900;
	[dreg:$0x1d] =	wrdreg s12  }
0x24: {  	s15 =	simm.s32 $0x9100;
	[dreg:$0x1e] =	wrdreg s13  }
0x25: {  	s16 =	simm.s32 $0x9900;
	[smem:$0x7DC] =	sst s15  }
0x26: {  	s18 =	simm.s32 $0xA900;
	[smem:$0x7DD] =	sst s16  }
0x27: {  	s19 =	simm.s32 $0xB100;
	[smem:$0x7DF] =	sst s18  }
0x28: {  	s21 =	simm.s32 $0xC900;
	[smem:$0x7E0] =	sst s19  }
0x29: {  	s22 =	simm.s32 $0xD100;
	[smem:$0x7E2] =	sst s21  }
0x2a: {  	s24 =	simm.s32 $0xE100;
	[smem:$0x7E3] =	sst s22  }
0x2b: {  	s25 =	simm.s32 $0xE900;
	[smem:$0x7E5] =	sst s24  }
0x2c: {  	s11 =	simm.s32 $0x13100;
	[smem:$0x7E6] =	sst s25  }
0x2d: {  	s14 =	simm.s32 $0x15100;
	[smem:$0x7EE] =	sst s11  }
0x2e: {  	s17 =	simm.s32 $0x16900;
	[smem:$0x7F1] =	sst s14  }
0x2f: {  	s20 =	simm.s32 $0x18900;
	[smem:$0x7F4] =	sst s17  }
0x30: {  	s23 =	simm.s32 $0x1A100;
	[smem:$0x7F7] =	sst s20  }
0x31: {  	s28 =	simm.s32 $0x6;
	s9 =	simm.s32 $0x5900;
	[smem:$0x7FA] =	sst s23  }
0x32: {  	s29 =	simm.s32 $0x7;
	s10 =	simm.s32 $0x6100;
	[dreg:$0x1a] =	wrdreg s9  }
0x33: {  	s30 =	simm.s32 $0x9;
	s26 =	simm.s32 $0xF100;
	[dreg:$0x1b] =	wrdreg s10  }
0x34: {  	s31 =	simm.s32 $0xA;
	s4 =	simm.s32 $0xF900;
	[smem:$0x7E7] =	sst s26  }
0x35: {  	s0 =	ssub.s32 $0x2, s0;
	s5 =	simm.s32 $0x10900;
	[smem:$0x7E8] =	sst s4  }
0x36: {  	s7 =	sshrl.u32 s0, $0x1;
	s6 =	simm.s32 $0x11100;
	[smem:$0x7E9] =	sst s5  }
0x37: {  	s2 =	simm.s32 $0xB;
	s8 =	simm.s32 $0x11900;
	[smem:$0x7EA] =	sst s6  }
0x38: {  	s0 =	ssub.s32 s0, s7;
	s12 =	simm.s32 $0x13900;
	[smem:$0x7EB] =	sst s8  }
0x39: {  	s7 =	simm.s32 $0x100;
	s13 =	simm.s32 $0x14900;
	[smem:$0x7EF] =	sst s12  }
0x3a: {  	s15 =	simm.s32 $0x15900;
	s16 =	simm.s32 $0x16100;
	[smem:$0x7F0] =	sst s13  }
0x3b: {  	s18 =	simm.s32 $0x17100;
	s19 =	simm.s32 $0x17900;
	[smem:$0x7F2] =	sst s15  }
0x3c: {  	s21 =	simm.s32 $0x19100;
	s22 =	simm.s32 $0x19900;
	[smem:$0x7F3] =	sst s16  }
0x3d: {  	s24 =	simm.s32 $0x1A900;
	s25 =	simm.s32 $0x1B100;
	[smem:$0x7F5] =	sst s18  }
0x3e: {  	s14 =	simm.s32 $0x1900;
	s17 =	simm.s32 $0x3900;
	[smem:$0x7F6] =	sst s19  }
0x3f: {  	s20 =	simm.s32 $0xC100;
	s23 =	simm.s32 $0x10100;
	[smem:$0x7F8] =	sst s21  }
0x40: {  	s9 =	simm.s32 $0x12100;
	s4 =	sadd.s32 $0x100, s1;
	[smem:$0x7F9] =	sst s22  }
0x41: {  	s10 =	simm.s32 $0x12900;
	s5 =	smax.u32 s0, $0x1;
	[smem:$0x7FB] =	sst s24  }
0x42: {  	[smem:$0x7FC] =	sst s25;
	s26 =	simm.s32 $0x1B900;
	s21 =	simm.s32 $0x1  }
0x43: {  	s22 =	simm.s32 $0x8;
	s0 =	simm.s32 $0xC;
	s8 =	simm.s32 $0xD  }
0x44: {  	s13 =	simm.s32 $0x1100;
	s15 =	simm.s32 $0x2900;
	s16 =	simm.s32 $0x3100  }
0x45: {  	v2 =	vlaneseq.u32;
	s18 =	simm.s32 $0x4100;
	s19 =	simm.s32 $0x8100;
	[smem:$0x7EC] =	sst s9  }
0x46: {  	vm0 =	vmmov $0xffff;
	v1 =	vshrl.u32 v2, $0x3;
	s24 =	simm.s32 $0x14100;
	s25 =	simm.s32 $0x18100;
	[smem:$0x7ED] =	sst s10  }
0x47: {  	v0 =	vand.u32 $0x7, v2;
	v2 =	vor.u32 $0x8, v2;
	v1 =	vmul.u32 $0x8, v1;
	[smem:$0x7FD] =	sst s26;
	s26 =	simm.s32 $0x5;
	s9 =	simm.s32 $0xE  }
.LBB2_1:
0x48: {  	s10 =	rddreg [dreg:$0x5]  }
0x49: {  	s11 =	rddreg [dreg:$0x16]  }
0x4a: {  	s12 =	rddreg [dreg:$0x17];
	s6 =	simm.s32 $0xF  }
0x4b: {  	[tilespmem:s3], [sflag:$0xF] =	stream.strided.gather [hbm4b:s10+s11], $0x100, s12, s11, $0x38;
	[tilespmem:$0x1C100] =	vst v63  }
0x4c: {  	_ =	swait.ge [sflag:s6], $0x100  }
0x4d: {  	[sflag:s6] =	ssyncset.done $0x0  }
0x4e: {  	[sflag:s6] =	ssyncadd.s32 $0xFFFFFF00  }
0x4f: {  	v3 =	vld [tilespmem:$0x0];
	_ =	sdelay $0x4  }
0x50: {  	v4 =	vshll.u32 v3, $0x2  }
0x51: {  	v3 =	vand.u32 $0x7, v3;
	v4 =	vand.u32 $0xFFFFFFE0, v4  }
0x52: {  	v3 =	vor.u32 v3, v4  }
0x53: {  	v4 =	vperm.xlane v3, v0;
	_ =	sdelay $0x1  }
0x54: {  	v4 =	vadd.s32 v1, v4;
	_ =	sdelay $0x1  }
0x55: {  	v3 =	vperm.xlane v3, v2;
	_ =	sdelay $0x1  }
0x56: {  	v3 =	vadd.s32 v1, v3  }
0x57: {  	[tilespmem:s7], [sflag:$0x1] =	stream.indirect_vreg.gather [hbm4b:s1+s3], $0x80, v4, vm0, $0xb8;
	[tilespmem:$0x1C100] =	vst v63  }
0x58: {  	s12 =	simm.s32 $0x900  }
0x59: {  	[tilespmem:s12], [sflag:$0x1] =	stream.indirect_vreg.gather [hbm4b:s4+s3], $0x80, v4, vm0, $0xb8;
	[tilespmem:$0x1C100] =	vst v63  }
0x5a: {  	_ = 	snop  }
0x5b: {  	[tilespmem:s13], [sflag:$0x1] =	stream.indirect_vreg.gather [hbm4b:s1+s3], $0x80, v3, vm0, $0xb8;
	[tilespmem:$0x1C100] =	vst v63  }
0x5c: {  	_ = 	snop  }
0x5d: {  	[tilespmem:s14], [sflag:$0x1] =	stream.indirect_vreg.gather [hbm4b:s4+s3], $0x80, v3, vm0, $0xb8;
	[tilespmem:$0x1C100] =	vst v63  }
0x5e: {  	v3 =	vld [tilespmem:$0x10];
	_ =	sdelay $0x4  }
0x5f: {  	v49 =	vshll.u32 v3, $0x2  }
0x60: {  	v3 =	vand.u32 $0x7, v3;
	v4 =	vand.u32 $0xFFFFFFE0, v49  }
0x61: {  	v3 =	vor.u32 v3, v4  }
0x62: {  	v4 =	vperm.xlane v3, v0;
	_ =	sdelay $0x1  }
0x63: {  	v4 =	vadd.s32 v1, v4;
	_ =	sdelay $0x1  }
0x64: {  	v3 =	vperm.xlane v3, v2;
	_ =	sdelay $0x1  }
0x65: {  	s6 =	simm.s32 $0x2100;
	v3 =	vadd.s32 v1, v3  }
0x66: {  	[tilespmem:s6], [sflag:$0x1] =	stream.indirect_vreg.gather [hbm4b:s1+s3], $0x80, v4, vm0, $0xb8;
	[tilespmem:$0x1C100] =	vst v63  }
0x67: {  	_ = 	snop  }
0x68: {  	[tilespmem:s15], [sflag:$0x1] =	stream.indirect_vreg.gather [hbm4b:s4+s3], $0x80, v4, vm0, $0xb8;
	[tilespmem:$0x1C100] =	vst v63  }
0x69: {  	_ = 	snop  }
0x6a: {  	[tilespmem:s16], [sflag:$0x1] =	stream.indirect_vreg.gather [hbm4b:s1+s3], $0x80, v3, vm0, $0xb8;
	[tilespmem:$0x1C100] =	vst v63  }
0x6b: {  	_ = 	snop  }
0x6c: {  	[tilespmem:s17], [sflag:$0x1] =	stream.indirect_vreg.gather [hbm4b:s4+s3], $0x80, v3, vm0, $0xb8;
	[tilespmem:$0x1C100] =	vst v63  }
0x6d: {  	v3 =	vld [tilespmem:$0x20];
	_ =	sdelay $0x4  }
0x6e: {  	v50 =	vshll.u32 v3, $0x2  }
0x6f: {  	v3 =	vand.u32 $0x7, v3;
	v4 =	vand.u32 $0xFFFFFFE0, v50  }
0x70: {  	v3 =	vor.u32 v3, v4  }
0x71: {  	v4 =	vperm.xlane v3, v0;
	_ =	sdelay $0x1  }
0x72: {  	v4 =	vadd.s32 v1, v4;
	_ =	sdelay $0x1  }
0x73: {  	v3 =	vperm.xlane v3, v2;
	_ =	sdelay $0x1  }
0x74: {  	v3 =	vadd.s32 v1, v3  }
0x75: {  	[tilespmem:s18], [sflag:$0x2] =	stream.indirect_vreg.gather [hbm4b:s1+s3], $0x80, v4, vm0, $0xb8;
	[tilespmem:$0x1C100] =	vst v63  }
0x76: {  	s10 =	rddreg [dreg:$0x18]  }
0x77: {  	[tilespmem:s10], [sflag:$0x2] =	stream.indirect_vreg.gather [hbm4b:s4+s3], $0x80, v4, vm0, $0xb8;
	[tilespmem:$0x1C100] =	vst v63  }
0x78: {  	s11 =	rddreg [dreg:$0x19]  }
0x79: {  	[tilespmem:s11], [sflag:$0x2] =	stream.indirect_vreg.gather [hbm4b:s1+s3], $0x80, v3, vm0, $0xb8;
	[tilespmem:$0x1C100] =	vst v63  }
0x7a: {  	s10 =	rddreg [dreg:$0x1a]  }
0x7b: {  	[tilespmem:s10], [sflag:$0x2] =	stream.indirect_vreg.gather [hbm4b:s4+s3], $0x80, v3, vm0, $0xb8;
	[tilespmem:$0x1C100] =	vst v63  }
0x7c: {  	v3 =	vld [tilespmem:$0x30];
	_ =	sdelay $0x4  }
0x7d: {  	v51 =	vshll.u32 v3, $0x2  }
0x7e: {  	v3 =	vand.u32 $0x7, v3;
	v4 =	vand.u32 $0xFFFFFFE0, v51  }
0x7f: {  	v3 =	vor.u32 v3, v4  }
0x80: {  	v4 =	vperm.xlane v3, v0;
	_ =	sdelay $0x1  }
0x81: {  	v4 =	vadd.s32 v1, v4;
	_ =	sdelay $0x1  }
0x82: {  	v3 =	vperm.xlane v3, v2;
	_ =	sdelay $0x1  }
0x83: {  	s10 =	rddreg [dreg:$0x1b];
	v3 =	vadd.s32 v1, v3  }
0x84: {  	[tilespmem:s10], [sflag:$0x2] =	stream.indirect_vreg.gather [hbm4b:s1+s3], $0x80, v4, vm0, $0xb8;
	[tilespmem:$0x1C100] =	vst v63  }
0x85: {  	s11 =	rddreg [dreg:$0x1c]  }
0x86: {  	[tilespmem:s11], [sflag:$0x2] =	stream.indirect_vreg.gather [hbm4b:s4+s3], $0x80, v4, vm0, $0xb8;
	[tilespmem:$0x1C100] =	vst v63  }
0x87: {  	s10 =	rddreg [dreg:$0x1d]  }
0x88: {  	[tilespmem:s10], [sflag:$0x2] =	stream.indirect_vreg.gather [hbm4b:s1+s3], $0x80, v3, vm0, $0xb8;
	[tilespmem:$0x1C100] =	vst v63  }
0x89: {  	s11 =	rddreg [dreg:$0x1e]  }
0x8a: {  	[tilespmem:s11], [sflag:$0x2] =	stream.indirect_vreg.gather [hbm4b:s4+s3], $0x80, v3, vm0, $0xb8;
	[tilespmem:$0x1C100] =	vst v63  }
0x8b: {  	v3 =	vld [tilespmem:$0x40];
	_ =	sdelay $0x4  }
0x8c: {  	v52 =	vshll.u32 v3, $0x2  }
0x8d: {  	v3 =	vand.u32 $0x7, v3;
	v4 =	vand.u32 $0xFFFFFFE0, v52  }
0x8e: {  	v3 =	vor.u32 v3, v4  }
0x8f: {  	v4 =	vperm.xlane v3, v0;
	_ =	sdelay $0x1  }
0x90: {  	v4 =	vadd.s32 v1, v4;
	_ =	sdelay $0x1  }
0x91: {  	v3 =	vperm.xlane v3, v2;
	_ =	sdelay $0x1  }
0x92: {  	s10 =	rddreg [dreg:$0x1f];
	v3 =	vadd.s32 v1, v3  }
0x93: {  	[tilespmem:s19], [sflag:$0x3] =	stream.indirect_vreg.gather [hbm4b:s1+s3], $0x80, v4, vm0, $0xb8;
	[tilespmem:$0x1C100] =	vst v63  }
0x94: {  	s11 =	sld [smem:$0x7DC]  }
0x95: {  	[tilespmem:s10], [sflag:$0x3] =	stream.indirect_vreg.gather [hbm4b:s4+s3], $0x80, v4, vm0, $0xb8;
	[tilespmem:$0x1C100] =	vst v63  }
0x96: {  	s10 =	sld [smem:$0x7DD]  }
0x97: {  	[tilespmem:s11], [sflag:$0x3] =	stream.indirect_vreg.gather [hbm4b:s1+s3], $0x80, v3, vm0, $0xb8;
	[tilespmem:$0x1C100] =	vst v63  }
0x98: {  	_ = 	snop  }
0x99: {  	[tilespmem:s10], [sflag:$0x3] =	stream.indirect_vreg.gather [hbm4b:s4+s3], $0x80, v3, vm0, $0xb8;
	[tilespmem:$0x1C100] =	vst v63  }
0x9a: {  	v3 =	vld [tilespmem:$0x50];
	_ =	sdelay $0x4  }
0x9b: {  	v53 =	vshll.u32 v3, $0x2  }
0x9c: {  	v3 =	vand.u32 $0x7, v3;
	v4 =	vand.u32 $0xFFFFFFE0, v53  }
0x9d: {  	v3 =	vor.u32 v3, v4  }
0x9e: {  	v4 =	vperm.xlane v3, v0;
	_ =	sdelay $0x1  }
0x9f: {  	v4 =	vadd.s32 v1, v4;
	_ =	sdelay $0x1  }
0xa0: {  	s10 =	sld [smem:$0x7DE];
	v3 =	vperm.xlane v3, v2;
	_ =	sdelay $0x1  }
0xa1: {  	s11 =	sld [smem:$0x7DF];
	v3 =	vadd.s32 v1, v3  }
0xa2: {  	[tilespmem:s10], [sflag:$0x3] =	stream.indirect_vreg.gather [hbm4b:s1+s3], $0x80, v4, vm0, $0xb8;
	[tilespmem:$0x1C100] =	vst v63  }
0xa3: {  	s10 =	sld [smem:$0x7E0]  }
0xa4: {  	[tilespmem:s11], [sflag:$0x3] =	stream.indirect_vreg.gather [hbm4b:s4+s3], $0x80, v4, vm0, $0xb8;
	[tilespmem:$0x1C100] =	vst v63  }
0xa5: {  	s11 =	sld [smem:$0x7E1]  }
0xa6: {  	[tilespmem:s10], [sflag:$0x3] =	stream.indirect_vreg.gather [hbm4b:s1+s3], $0x80, v3, vm0, $0xb8;
	[tilespmem:$0x1C100] =	vst v63  }
0xa7: {  	_ = 	snop  }
0xa8: {  	[tilespmem:s11], [sflag:$0x3] =	stream.indirect_vreg.gather [hbm4b:s4+s3], $0x80, v3, vm0, $0xb8;
	[tilespmem:$0x1C100] =	vst v63  }
0xa9: {  	v3 =	vld [tilespmem:$0x60];
	_ =	sdelay $0x4  }
0xaa: {  	v54 =	vshll.u32 v3, $0x2  }
0xab: {  	v3 =	vand.u32 $0x7, v3;
	v4 =	vand.u32 $0xFFFFFFE0, v54  }
0xac: {  	v3 =	vor.u32 v3, v4  }
0xad: {  	v4 =	vperm.xlane v3, v0;
	_ =	sdelay $0x1  }
0xae: {  	v4 =	vadd.s32 v1, v4;
	_ =	sdelay $0x1  }
0xaf: {  	v3 =	vperm.xlane v3, v2;
	_ =	sdelay $0x1  }
0xb0: {  	s10 =	sld [smem:$0x7E2];
	v3 =	vadd.s32 v1, v3  }
0xb1: {  	[tilespmem:s20], [sflag:$0x4] =	stream.indirect_vreg.gather [hbm4b:s1+s3], $0x80, v4, vm0, $0xb8;
	[tilespmem:$0x1C100] =	vst v63  }
0xb2: {  	s11 =	sld [smem:$0x7E3]  }
0xb3: {  	[tilespmem:s10], [sflag:$0x4] =	stream.indirect_vreg.gather [hbm4b:s4+s3], $0x80, v4, vm0, $0xb8;
	[tilespmem:$0x1C100] =	vst v63  }
0xb4: {  	s10 =	sld [smem:$0x7E4]  }
0xb5: {  	[tilespmem:s11], [sflag:$0x4] =	stream.indirect_vreg.gather [hbm4b:s1+s3], $0x80, v3, vm0, $0xb8;
	[tilespmem:$0x1C100] =	vst v63  }
0xb6: {  	_ = 	snop  }
0xb7: {  	[tilespmem:s10], [sflag:$0x4] =	stream.indirect_vreg.gather [hbm4b:s4+s3], $0x80, v3, vm0, $0xb8;
	[tilespmem:$0x1C100] =	vst v63  }
0xb8: {  	v3 =	vld [tilespmem:$0x70];
	_ =	sdelay $0x4  }
0xb9: {  	v55 =	vshll.u32 v3, $0x2  }
0xba: {  	v3 =	vand.u32 $0x7, v3;
	v4 =	vand.u32 $0xFFFFFFE0, v55  }
0xbb: {  	v3 =	vor.u32 v3, v4  }
0xbc: {  	v4 =	vperm.xlane v3, v0;
	_ =	sdelay $0x1  }
0xbd: {  	v4 =	vadd.s32 v1, v4;
	_ =	sdelay $0x1  }
0xbe: {  	s10 =	sld [smem:$0x7E5];
	v3 =	vperm.xlane v3, v2;
	_ =	sdelay $0x1  }
0xbf: {  	s11 =	sld [smem:$0x7E6];
	v3 =	vadd.s32 v1, v3  }
0xc0: {  	[tilespmem:s10], [sflag:$0x4] =	stream.indirect_vreg.gather [hbm4b:s1+s3], $0x80, v4, vm0, $0xb8;
	[tilespmem:$0x1C100] =	vst v63  }
0xc1: {  	s10 =	sld [smem:$0x7E7]  }
0xc2: {  	[tilespmem:s11], [sflag:$0x4] =	stream.indirect_vreg.gather [hbm4b:s4+s3], $0x80, v4, vm0, $0xb8;
	[tilespmem:$0x1C100] =	vst v63  }
0xc3: {  	s11 =	sld [smem:$0x7E8]  }
0xc4: {  	[tilespmem:s10], [sflag:$0x4] =	stream.indirect_vreg.gather [hbm4b:s1+s3], $0x80, v3, vm0, $0xb8;
	[tilespmem:$0x1C100] =	vst v63  }
0xc5: {  	_ = 	snop  }
0xc6: {  	[tilespmem:s11], [sflag:$0x4] =	stream.indirect_vreg.gather [hbm4b:s4+s3], $0x80, v3, vm0, $0xb8;
	[tilespmem:$0x1C100] =	vst v63  }
0xc7: {  	v3 =	vld [tilespmem:$0x80];
	_ =	sdelay $0x4  }
0xc8: {  	v56 =	vshll.u32 v3, $0x2  }
0xc9: {  	v3 =	vand.u32 $0x7, v3;
	v4 =	vand.u32 $0xFFFFFFE0, v56  }
0xca: {  	v3 =	vor.u32 v3, v4  }
0xcb: {  	v4 =	vperm.xlane v3, v0;
	_ =	sdelay $0x1  }
0xcc: {  	v4 =	vadd.s32 v1, v4;
	_ =	sdelay $0x1  }
0xcd: {  	v3 =	vperm.xlane v3, v2;
	_ =	sdelay $0x1  }
0xce: {  	s10 =	sld [smem:$0x7E9];
	v3 =	vadd.s32 v1, v3  }
0xcf: {  	[tilespmem:s23], [sflag:$0x5] =	stream.indirect_vreg.gather [hbm4b:s1+s3], $0x80, v4, vm0, $0xb8;
	[tilespmem:$0x1C100] =	vst v63  }
0xd0: {  	s11 =	sld [smem:$0x7EA]  }
0xd1: {  	[tilespmem:s10], [sflag:$0x5] =	stream.indirect_vreg.gather [hbm4b:s4+s3], $0x80, v4, vm0, $0xb8;
	[tilespmem:$0x1C100] =	vst v63  }
0xd2: {  	s10 =	sld [smem:$0x7EB]  }
0xd3: {  	[tilespmem:s11], [sflag:$0x5] =	stream.indirect_vreg.gather [hbm4b:s1+s3], $0x80, v3, vm0, $0xb8;
	[tilespmem:$0x1C100] =	vst v63  }
0xd4: {  	_ = 	snop  }
0xd5: {  	[tilespmem:s10], [sflag:$0x5] =	stream.indirect_vreg.gather [hbm4b:s4+s3], $0x80, v3, vm0, $0xb8;
	[tilespmem:$0x1C100] =	vst v63  }
0xd6: {  	v3 =	vld [tilespmem:$0x90];
	_ =	sdelay $0x4  }
0xd7: {  	v57 =	vshll.u32 v3, $0x2  }
0xd8: {  	v3 =	vand.u32 $0x7, v3;
	v4 =	vand.u32 $0xFFFFFFE0, v57  }
0xd9: {  	v3 =	vor.u32 v3, v4  }
0xda: {  	v4 =	vperm.xlane v3, v0;
	_ =	sdelay $0x1  }
0xdb: {  	v4 =	vadd.s32 v1, v4;
	_ =	sdelay $0x1  }
0xdc: {  	s10 =	sld [smem:$0x7EC];
	v3 =	vperm.xlane v3, v2;
	_ =	sdelay $0x1  }
0xdd: {  	s11 =	sld [smem:$0x7ED];
	v3 =	vadd.s32 v1, v3  }
0xde: {  	[tilespmem:s10], [sflag:$0x5] =	stream.indirect_vreg.gather [hbm4b:s1+s3], $0x80, v4, vm0, $0xb8;
	[tilespmem:$0x1C100] =	vst v63  }
0xdf: {  	s10 =	sld [smem:$0x7EE]  }
0xe0: {  	[tilespmem:s11], [sflag:$0x5] =	stream.indirect_vreg.gather [hbm4b:s4+s3], $0x80, v4, vm0, $0xb8;
	[tilespmem:$0x1C100] =	vst v63  }
0xe1: {  	s11 =	sld [smem:$0x7EF]  }
0xe2: {  	[tilespmem:s10], [sflag:$0x5] =	stream.indirect_vreg.gather [hbm4b:s1+s3], $0x80, v3, vm0, $0xb8;
	[tilespmem:$0x1C100] =	vst v63  }
0xe3: {  	_ = 	snop  }
0xe4: {  	[tilespmem:s11], [sflag:$0x5] =	stream.indirect_vreg.gather [hbm4b:s4+s3], $0x80, v3, vm0, $0xb8;
	[tilespmem:$0x1C100] =	vst v63  }
0xe5: {  	v3 =	vld [tilespmem:$0xA0];
	_ =	sdelay $0x4  }
0xe6: {  	v58 =	vshll.u32 v3, $0x2  }
0xe7: {  	v3 =	vand.u32 $0x7, v3;
	v4 =	vand.u32 $0xFFFFFFE0, v58  }
0xe8: {  	v3 =	vor.u32 v3, v4  }
0xe9: {  	v4 =	vperm.xlane v3, v0;
	_ =	sdelay $0x1  }
0xea: {  	v4 =	vadd.s32 v1, v4;
	_ =	sdelay $0x1  }
0xeb: {  	v3 =	vperm.xlane v3, v2;
	_ =	sdelay $0x1  }
0xec: {  	s10 =	sld [smem:$0x7F0];
	v3 =	vadd.s32 v1, v3  }
0xed: {  	[tilespmem:s24], [sflag:$0x6] =	stream.indirect_vreg.gather [hbm4b:s1+s3], $0x80, v4, vm0, $0xb8;
	[tilespmem:$0x1C100] =	vst v63  }
0xee: {  	s11 =	sld [smem:$0x7F1]  }
0xef: {  	[tilespmem:s10], [sflag:$0x6] =	stream.indirect_vreg.gather [hbm4b:s4+s3], $0x80, v4, vm0, $0xb8;
	[tilespmem:$0x1C100] =	vst v63  }
0xf0: {  	s10 =	sld [smem:$0x7F2]  }
0xf1: {  	[tilespmem:s11], [sflag:$0x6] =	stream.indirect_vreg.gather [hbm4b:s1+s3], $0x80, v3, vm0, $0xb8;
	[tilespmem:$0x1C100] =	vst v63  }
0xf2: {  	_ = 	snop  }
0xf3: {  	[tilespmem:s10], [sflag:$0x6] =	stream.indirect_vreg.gather [hbm4b:s4+s3], $0x80, v3, vm0, $0xb8;
	[tilespmem:$0x1C100] =	vst v63  }
0xf4: {  	v3 =	vld [tilespmem:$0xB0];
	_ =	sdelay $0x4  }
0xf5: {  	v59 =	vshll.u32 v3, $0x2  }
0xf6: {  	v3 =	vand.u32 $0x7, v3;
	v4 =	vand.u32 $0xFFFFFFE0, v59  }
0xf7: {  	v3 =	vor.u32 v3, v4  }
0xf8: {  	v4 =	vperm.xlane v3, v0;
	_ =	sdelay $0x1  }
0xf9: {  	v4 =	vadd.s32 v1, v4;
	_ =	sdelay $0x1  }
0xfa: {  	s10 =	sld [smem:$0x7F3];
	v3 =	vperm.xlane v3, v2;
	_ =	sdelay $0x1  }
0xfb: {  	s11 =	sld [smem:$0x7F4];
	v3 =	vadd.s32 v1, v3  }
0xfc: {  	[tilespmem:s10], [sflag:$0x6] =	stream.indirect_vreg.gather [hbm4b:s1+s3], $0x80, v4, vm0, $0xb8;
	[tilespmem:$0x1C100] =	vst v63  }
0xfd: {  	s10 =	sld [smem:$0x7F5]  }
0xfe: {  	[tilespmem:s11], [sflag:$0x6] =	stream.indirect_vreg.gather [hbm4b:s4+s3], $0x80, v4, vm0, $0xb8;
	[tilespmem:$0x1C100] =	vst v63  }
0xff: {  	s11 =	sld [smem:$0x7F6]  }
0x100: {  	[tilespmem:s10], [sflag:$0x6] =	stream.indirect_vreg.gather [hbm4b:s1+s3], $0x80, v3, vm0, $0xb8;
	[tilespmem:$0x1C100] =	vst v63  }
0x101: {  	_ = 	snop  }
0x102: {  	[tilespmem:s11], [sflag:$0x6] =	stream.indirect_vreg.gather [hbm4b:s4+s3], $0x80, v3, vm0, $0xb8;
	[tilespmem:$0x1C100] =	vst v63  }
0x103: {  	v3 =	vld [tilespmem:$0xC0];
	_ =	sdelay $0x4  }
0x104: {  	v60 =	vshll.u32 v3, $0x2  }
0x105: {  	v3 =	vand.u32 $0x7, v3;
	v4 =	vand.u32 $0xFFFFFFE0, v60  }
0x106: {  	v3 =	vor.u32 v3, v4  }
0x107: {  	v4 =	vperm.xlane v3, v0;
	_ =	sdelay $0x1  }
0x108: {  	v4 =	vadd.s32 v1, v4;
	_ =	sdelay $0x1  }
0x109: {  	v3 =	vperm.xlane v3, v2;
	_ =	sdelay $0x1  }
0x10a: {  	s10 =	sld [smem:$0x7F7];
	v3 =	vadd.s32 v1, v3  }
0x10b: {  	[tilespmem:s25], [sflag:$0x7] =	stream.indirect_vreg.gather [hbm4b:s1+s3], $0x80, v4, vm0, $0xb8;
	[tilespmem:$0x1C100] =	vst v63  }
0x10c: {  	s11 =	sld [smem:$0x7F8]  }
0x10d: {  	[tilespmem:s10], [sflag:$0x7] =	stream.indirect_vreg.gather [hbm4b:s4+s3], $0x80, v4, vm0, $0xb8;
	[tilespmem:$0x1C100] =	vst v63  }
0x10e: {  	s10 =	sld [smem:$0x7F9]  }
0x10f: {  	[tilespmem:s11], [sflag:$0x7] =	stream.indirect_vreg.gather [hbm4b:s1+s3], $0x80, v3, vm0, $0xb8;
	[tilespmem:$0x1C100] =	vst v63  }
0x110: {  	_ = 	snop  }
0x111: {  	[tilespmem:s10], [sflag:$0x7] =	stream.indirect_vreg.gather [hbm4b:s4+s3], $0x80, v3, vm0, $0xb8;
	[tilespmem:$0x1C100] =	vst v63  }
0x112: {  	v3 =	vld [tilespmem:$0xD0];
	_ =	sdelay $0x4  }
0x113: {  	v61 =	vshll.u32 v3, $0x2  }
0x114: {  	v3 =	vand.u32 $0x7, v3;
	v4 =	vand.u32 $0xFFFFFFE0, v61  }
0x115: {  	v3 =	vor.u32 v3, v4  }
0x116: {  	v4 =	vperm.xlane v3, v0;
	_ =	sdelay $0x1  }
0x117: {  	v4 =	vadd.s32 v1, v4;
	_ =	sdelay $0x1  }
0x118: {  	s10 =	sld [smem:$0x7FA];
	v3 =	vperm.xlane v3, v2;
	_ =	sdelay $0x1  }
0x119: {  	s11 =	sld [smem:$0x7FB];
	v3 =	vadd.s32 v1, v3  }
0x11a: {  	[tilespmem:s10], [sflag:$0x7] =	stream.indirect_vreg.gather [hbm4b:s1+s3], $0x80, v4, vm0, $0xb8;
	[tilespmem:$0x1C100] =	vst v63  }
0x11b: {  	s10 =	sld [smem:$0x7FC]  }
0x11c: {  	[tilespmem:s11], [sflag:$0x7] =	stream.indirect_vreg.gather [hbm4b:s4+s3], $0x80, v4, vm0, $0xb8;
	[tilespmem:$0x1C100] =	vst v63  }
0x11d: {  	s11 =	sld [smem:$0x7FD]  }
0x11e: {  	[tilespmem:s10], [sflag:$0x7] =	stream.indirect_vreg.gather [hbm4b:s1+s3], $0x80, v3, vm0, $0xb8;
	[tilespmem:$0x1C100] =	vst v63  }
0x11f: {  	_ = 	snop  }
0x120: {  	[tilespmem:s11], [sflag:$0x7] =	stream.indirect_vreg.gather [hbm4b:s4+s3], $0x80, v3, vm0, $0xb8;
	[tilespmem:$0x1C100] =	vst v63  }
0x121: {  	_ =	swait.ge [sflag:s21], $0x4000  }
0x122: {  	[sflag:s21] =	ssyncset.done $0x0  }
0x123: {  	s10 =	rddreg [dreg:$0x6];
	[sflag:s21] =	ssyncadd.s32 $0xFFFFC000  }
0x124: {  	[hbm4b:s10+s3] =	stream.linear.scatter [tilespmem:s7], [sflag:$0x8], $0x4000, $0x38;
	[tilespmem:$0x1C100] =	vst v63  }
0x125: {  	s11 =	rddreg [dreg:$0x7]  }
0x126: {  	[hbm4b:s11+s3] =	stream.linear.scatter [tilespmem:s7], [sflag:$0x8], $0x4000, $0x38;
	[tilespmem:$0x1C100] =	vst v63  }
0x127: {  	_ =	swait.ge [sflag:s22], $0x4000  }
0x128: {  	[sflag:s22] =	ssyncset.done $0x0  }
0x129: {  	[sflag:s22] =	ssyncadd.s32 $0xFFFFC000  }
0x12a: {  	_ =	swait.ge [sflag:s22], $0x4000  }
0x12b: {  	[sflag:s22] =	ssyncset.done $0x0  }
0x12c: {  	[sflag:s22] =	ssyncadd.s32 $0xFFFFC000  }
0x12d: {  	v3 =	vld [tilespmem:$0xE0];
	_ =	sdelay $0x4  }
0x12e: {  	v62 =	vshll.u32 v3, $0x2  }
0x12f: {  	v3 =	vand.u32 $0x7, v3;
	v4 =	vand.u32 $0xFFFFFFE0, v62  }
0x130: {  	v3 =	vor.u32 v3, v4  }
0x131: {  	v4 =	vperm.xlane v3, v0;
	_ =	sdelay $0x1  }
0x132: {  	v4 =	vadd.s32 v1, v4;
	_ =	sdelay $0x1  }
0x133: {  	v3 =	vperm.xlane v3, v2;
	_ =	sdelay $0x1  }
0x134: {  	v3 =	vadd.s32 v1, v3  }
0x135: {  	[tilespmem:s7], [sflag:$0x1] =	stream.indirect_vreg.gather [hbm4b:s1+s3], $0x80, v4, vm0, $0xb8;
	[tilespmem:$0x1C100] =	vst v63  }
0x136: {  	_ = 	snop  }
0x137: {  	[tilespmem:s12], [sflag:$0x1] =	stream.indirect_vreg.gather [hbm4b:s4+s3], $0x80, v4, vm0, $0xb8;
	[tilespmem:$0x1C100] =	vst v63  }
0x138: {  	_ = 	snop  }
0x139: {  	[tilespmem:s13], [sflag:$0x1] =	stream.indirect_vreg.gather [hbm4b:s1+s3], $0x80, v3, vm0, $0xb8;
	[tilespmem:$0x1C100] =	vst v63  }
0x13a: {  	_ = 	snop  }
0x13b: {  	[tilespmem:s14], [sflag:$0x1] =	stream.indirect_vreg.gather [hbm4b:s4+s3], $0x80, v3, vm0, $0xb8;
	[tilespmem:$0x1C100] =	vst v63  }
0x13c: {  	v3 =	vld [tilespmem:$0xF0];
	_ =	sdelay $0x4  }
0x13d: {  	v63 =	vshll.u32 v3, $0x2  }
0x13e: {  	v3 =	vand.u32 $0x7, v3;
	v4 =	vand.u32 $0xFFFFFFE0, v63  }
0x13f: {  	v3 =	vor.u32 v3, v4  }
0x140: {  	v4 =	vperm.xlane v3, v0;
	_ =	sdelay $0x1  }
0x141: {  	v4 =	vadd.s32 v1, v4;
	_ =	sdelay $0x1  }
0x142: {  	v3 =	vperm.xlane v3, v2;
	_ =	sdelay $0x1  }
0x143: {  	v3 =	vadd.s32 v1, v3  }
0x144: {  	[tilespmem:s6], [sflag:$0x1] =	stream.indirect_vreg.gather [hbm4b:s1+s3], $0x80, v4, vm0, $0xb8;
	[tilespmem:$0x1C100] =	vst v63  }
0x145: {  	_ = 	snop  }
0x146: {  	[tilespmem:s15], [sflag:$0x1] =	stream.indirect_vreg.gather [hbm4b:s4+s3], $0x80, v4, vm0, $0xb8;
	[tilespmem:$0x1C100] =	vst v63  }
0x147: {  	_ = 	snop  }
0x148: {  	[tilespmem:s16], [sflag:$0x1] =	stream.indirect_vreg.gather [hbm4b:s1+s3], $0x80, v3, vm0, $0xb8;
	[tilespmem:$0x1C100] =	vst v63  }
0x149: {  	s11 =	simm.s32 $0x2  }
0x14a: {  	[tilespmem:s17], [sflag:$0x1] =	stream.indirect_vreg.gather [hbm4b:s4+s3], $0x80, v3, vm0, $0xb8;
	[tilespmem:$0x1C100] =	vst v63  }
0x14b: {  	_ =	swait.ge [sflag:s11], $0x4000  }
0x14c: {  	[sflag:s11] =	ssyncset.done $0x0  }
0x14d: {  	s12 =	rddreg [dreg:$0x8];
	[sflag:s11] =	ssyncadd.s32 $0xFFFFC000  }
0x14e: {  	[hbm4b:s12+s3] =	stream.linear.scatter [tilespmem:s18], [sflag:$0x9], $0x4000, $0x38;
	[tilespmem:$0x1C100] =	vst v63  }
0x14f: {  	s6 =	rddreg [dreg:$0x9];
	s11 =	simm.s32 $0x3  }
0x150: {  	[hbm4b:s6+s3] =	stream.linear.scatter [tilespmem:s18], [sflag:$0x9], $0x4000, $0x38;
	[tilespmem:$0x1C100] =	vst v63  }
0x151: {  	_ =	swait.ge [sflag:s11], $0x4000  }
0x152: {  	[sflag:s11] =	ssyncset.done $0x0  }
0x153: {  	s12 =	rddreg [dreg:$0xa];
	[sflag:s11] =	ssyncadd.s32 $0xFFFFC000  }
0x154: {  	[hbm4b:s12+s3] =	stream.linear.scatter [tilespmem:s19], [sflag:$0xA], $0x4000, $0x38;
	[tilespmem:$0x1C100] =	vst v63  }
0x155: {  	s6 =	rddreg [dreg:$0xb];
	s11 =	simm.s32 $0x4  }
0x156: {  	[hbm4b:s6+s3] =	stream.linear.scatter [tilespmem:s19], [sflag:$0xA], $0x4000, $0x38;
	[tilespmem:$0x1C100] =	vst v63  }
0x157: {  	_ =	swait.ge [sflag:s11], $0x4000  }
0x158: {  	[sflag:s11] =	ssyncset.done $0x0  }
0x159: {  	s12 =	rddreg [dreg:$0xc];
	[sflag:s11] =	ssyncadd.s32 $0xFFFFC000  }
0x15a: {  	[hbm4b:s12+s3] =	stream.linear.scatter [tilespmem:s20], [sflag:$0xB], $0x4000, $0x38;
	[tilespmem:$0x1C100] =	vst v63  }
0x15b: {  	s6 =	rddreg [dreg:$0xd]  }
0x15c: {  	[hbm4b:s6+s3] =	stream.linear.scatter [tilespmem:s20], [sflag:$0xB], $0x4000, $0x38;
	[tilespmem:$0x1C100] =	vst v63  }
0x15d: {  	_ =	swait.ge [sflag:s26], $0x4000  }
0x15e: {  	[sflag:s26] =	ssyncset.done $0x0  }
0x15f: {  	s12 =	rddreg [dreg:$0xe];
	[sflag:s26] =	ssyncadd.s32 $0xFFFFC000  }
0x160: {  	[hbm4b:s12+s3] =	stream.linear.scatter [tilespmem:s23], [sflag:$0xC], $0x4000, $0x38;
	[tilespmem:$0x1C100] =	vst v63  }
0x161: {  	s6 =	rddreg [dreg:$0xf]  }
0x162: {  	[hbm4b:s6+s3] =	stream.linear.scatter [tilespmem:s23], [sflag:$0xC], $0x4000, $0x38;
	[tilespmem:$0x1C100] =	vst v63  }
0x163: {  	_ =	swait.ge [sflag:s28], $0x4000  }
0x164: {  	[sflag:s28] =	ssyncset.done $0x0  }
0x165: {  	s12 =	rddreg [dreg:$0x10];
	[sflag:s28] =	ssyncadd.s32 $0xFFFFC000  }
0x166: {  	[hbm4b:s12+s3] =	stream.linear.scatter [tilespmem:s24], [sflag:$0xD], $0x4000, $0x38;
	[tilespmem:$0x1C100] =	vst v63  }
0x167: {  	s6 =	rddreg [dreg:$0x11]  }
0x168: {  	[hbm4b:s6+s3] =	stream.linear.scatter [tilespmem:s24], [sflag:$0xD], $0x4000, $0x38;
	[tilespmem:$0x1C100] =	vst v63  }
0x169: {  	_ =	swait.ge [sflag:s29], $0x4000  }
0x16a: {  	[sflag:s29] =	ssyncset.done $0x0  }
0x16b: {  	s12 =	rddreg [dreg:$0x12];
	[sflag:s29] =	ssyncadd.s32 $0xFFFFC000  }
0x16c: {  	[hbm4b:s12+s3] =	stream.linear.scatter [tilespmem:s25], [sflag:$0xE], $0x4000, $0x38;
	[tilespmem:$0x1C100] =	vst v63  }
0x16d: {  	s6 =	rddreg [dreg:$0x13]  }
0x16e: {  	[hbm4b:s6+s3] =	stream.linear.scatter [tilespmem:s25], [sflag:$0xE], $0x4000, $0x38;
	[tilespmem:$0x1C100] =	vst v63  }
0x16f: {  	_ =	swait.ge [sflag:s21], $0x4000  }
0x170: {  	[sflag:s21] =	ssyncset.done $0x0  }
0x171: {  	s11 =	rddreg [dreg:$0x14];
	[sflag:s21] =	ssyncadd.s32 $0xFFFFC000  }
0x172: {  	[hbm4b:s11+s3] =	stream.linear.scatter [tilespmem:s7], [sflag:$0x8], $0x4000, $0x38;
	[tilespmem:$0x1C100] =	vst v63  }
0x173: {  	s12 =	rddreg [dreg:$0x15]  }
0x174: {  	[hbm4b:s12+s3] =	stream.linear.scatter [tilespmem:s7], [sflag:$0x8], $0x4000, $0x38;
	[tilespmem:$0x1C100] =	vst v63  }
0x175: {  	_ =	swait.ge [sflag:s30], $0x4000  }
0x176: {  	[sflag:s30] =	ssyncset.done $0x0  }
0x177: {  	[sflag:s30] =	ssyncadd.s32 $0xFFFFC000  }
0x178: {  	_ =	swait.ge [sflag:s30], $0x4000  }
0x179: {  	[sflag:s30] =	ssyncset.done $0x0  }
0x17a: {  	[sflag:s30] =	ssyncadd.s32 $0xFFFFC000  }
0x17b: {  	_ =	swait.ge [sflag:s31], $0x4000  }
0x17c: {  	[sflag:s31] =	ssyncset.done $0x0  }
0x17d: {  	[sflag:s31] =	ssyncadd.s32 $0xFFFFC000  }
0x17e: {  	_ =	swait.ge [sflag:s31], $0x4000  }
0x17f: {  	[sflag:s31] =	ssyncset.done $0x0  }
0x180: {  	[sflag:s31] =	ssyncadd.s32 $0xFFFFC000  }
0x181: {  	_ =	swait.ge [sflag:s2], $0x4000  }
0x182: {  	[sflag:s2] =	ssyncset.done $0x0  }
0x183: {  	[sflag:s2] =	ssyncadd.s32 $0xFFFFC000  }
0x184: {  	_ =	swait.ge [sflag:s2], $0x4000  }
0x185: {  	[sflag:s2] =	ssyncset.done $0x0  }
0x186: {  	[sflag:s2] =	ssyncadd.s32 $0xFFFFC000  }
0x187: {  	_ =	swait.ge [sflag:s0], $0x4000  }
0x188: {  	[sflag:s0] =	ssyncset.done $0x0  }
0x189: {  	[sflag:s0] =	ssyncadd.s32 $0xFFFFC000  }
0x18a: {  	_ =	swait.ge [sflag:s0], $0x4000  }
0x18b: {  	[sflag:s0] =	ssyncset.done $0x0  }
0x18c: {  	[sflag:s0] =	ssyncadd.s32 $0xFFFFC000  }
0x18d: {  	_ =	swait.ge [sflag:s8], $0x4000  }
0x18e: {  	[sflag:s8] =	ssyncset.done $0x0  }
0x18f: {  	[sflag:s8] =	ssyncadd.s32 $0xFFFFC000  }
0x190: {  	_ =	swait.ge [sflag:s8], $0x4000  }
0x191: {  	[sflag:s8] =	ssyncset.done $0x0  }
0x192: {  	[sflag:s8] =	ssyncadd.s32 $0xFFFFC000  }
0x193: {  	_ =	swait.ge [sflag:s9], $0x4000  }
0x194: {  	[sflag:s9] =	ssyncset.done $0x0  }
0x195: {  	[sflag:s9] =	ssyncadd.s32 $0xFFFFC000  }
0x196: {  	_ =	swait.ge [sflag:s9], $0x4000  }
0x197: {  	[sflag:s9] =	ssyncset.done $0x0  }
0x198: {  	[sflag:s9] =	ssyncadd.s32 $0xFFFFC000  }
0x199: {  	p0 =	sne.s32 s5, $0x1;
	_ =	swait.ge [sflag:s22], $0x4000  }
.Ltmp0:
0x19a: {  	[sflag:s22] =	ssyncset.done $0x0;
	(pc) =	sbr.rel @p0 .LBB2_1-.Ltmp0, $4  }
0x19b: {  	[sflag:s22] =	ssyncadd.s32 $0xFFFFC000  }
0x19c: {  	_ =	swait.ge [sflag:s22], $0x4000  }
0x19d: {  	[sflag:s22] =	ssyncset.done $0x0  }
0x19e: {  	s5 =	sadd.s32 $0xFFFFFFFF, s5;
	[sflag:s22] =	ssyncadd.s32 $0xFFFFC000  }
0x19f: {  	_ =	sfence.sel $0x180000  }
0x1a0: {  	[bflag:$0x0] =	sbarrier.arrive $0xFFFF  }
0x1a1: {  	_ =	strace $0x90000047  }
0x1a2: {  	s0 =	stileid.u32;
	[bflag:$0x2] =	sbarrier.arrive $0xFFFF  }
0x1a3: {  	p0 =	sne.s32 s0, $0x0;
	s0 =	rddreg [dreg:$0x4]  }
0x1a4: {  	s0 =	sadd.s32 @!p0 $0x100000, s0  }
0x1a5: {  	[sflag:s0] =	ssyncadd.tile.s32 @!p0 $0x1;
	_ =	shalt  }
.Lfunc_end2:
_tile_overlayer_lowered:
.L_overlay_start_2:
0x1a6: {  	(tag) =	ssettag $0x2  }
0x1a7: {  	s0 =	rddreg [dreg:$0x0];
	s2 =	stileid.u32  }
0x1a8: {  	s1 =	rddreg [dreg:$0x1];
	p0 =	sne.s32 s2, $0x0  }
0x1a9: {  	s3 =	rddreg [dreg:$0x2];
	[bflag:$0x3] =	sbarrier.arrive $0xFFFF;
	s2 =	simm.s32 @!p0 $0x1C0F  }
0x1aa: {  	[timem:s3], [sflag:s2] =	dma.local @!p0 [hbm:s0], s1  }
0x1ab: {  	s0 =	simm.s32 @!p0 $0xF  }
0x1ac: {  	_ =	swait.ge @!p0 [sflag:s0], s1  }
0x1ad: {  	s1 =	ssub.s32 @!p0 $0x0, s1;
	[sflag:s0] =	ssyncset.done @!p0 $0x0  }
0x1ae: {  	[sflag:s0] =	ssyncadd.s32 @!p0 s1  }
0x1af: {  	[bflag:$0x3] =	sbarrier.arrive $0xFFFF  }
0x1b0: {  	_ =	shalt  }

</sc_bundles>
